<compile_context>
chip_gen: v7x
topology: tpu7x:2x2x1
jax: 0.10.2.dev20260603
libtpu: 0.0.44.dev20260713+nightly
codegen_flags: <defaults>
</compile_context>

<pallas_src>
import functools

import jax
import jax.numpy as jnp
from jax import lax
from jax.experimental import pallas as pl
from jax.experimental.pallas import tpu as pltpu
from jax.experimental.pallas import tpu_sc as plsc

F = 26
B = 16384
VOCAB = 100000
V = F * VOCAB
VMAIN = 2599936
NC = 2
NS = 16
L = 16
NW = NC * NS
BPW = B // NW
CPW = BPW * F

NCHUNK = 16
CHUNK = CPW // NCHUNK
SLICES = CPW // L
SPC = SLICES // NCHUNK
RPF = BPW // L


def _body(x_hbm, wm_hbm, wt_hbm, b_hbm, out_hbm,
          x_v, idc_v, g_v, acc_v, tail_v, bias_v, sem):
    wid = lax.axis_index("s") * NC + lax.axis_index("c")

    pltpu.sync_copy(x_hbm.at[pl.ds(wid * BPW, BPW), :], x_v)
    pltpu.sync_copy(wt_hbm, tail_v)
    pltpu.sync_copy(b_hbm, bias_v)

    iota = lax.iota(jnp.int32, L)

    copies = []
    for c in range(NCHUNK):

        def sl_body(i, carry, c=c):
            s = c * SPC + i
            f = s >> 5
            r0 = (s & 31) * L
            raw = plsc.load_gather(x_v, [r0 + iota, f + jnp.zeros((L,), jnp.int32)])
            idc_v[pl.ds(s * L, L)] = jnp.minimum(raw + f * VOCAB, VMAIN - 1)
            return carry

        lax.fori_loop(0, SPC, sl_body, 0)
        copies.append(
            pltpu.async_copy(
                wm_hbm.at[idc_v.at[pl.ds(c * CHUNK, CHUNK)]],
                g_v.at[pl.ds(c * CHUNK, CHUNK)],
                sem,
            )
        )
    for cp in copies:
        cp.wait()

    def fix_body(t, carry):
        r0 = t * L
        raw = plsc.load_gather(
            x_v, [r0 + iota, (F - 1) + jnp.zeros((L,), jnp.int32)]
        )
        iv = raw + (F - 1) * VOCAB
        m = iv >= VMAIN
        tpos = jnp.clip(iv - VMAIN, 0, V - VMAIN - 1)
        tv = plsc.load_gather(tail_v, [tpos])
        j = (F - 1) * BPW + r0
        g_v[pl.ds(j, L)] = jnp.where(m, tv, g_v[pl.ds(j, L)])
        return carry

    lax.fori_loop(0, RPF, fix_body, 0)

    bias_vec = bias_v[...]

    def red_body(t, carry):
        r0 = t * L
        s = g_v[pl.ds(r0, L)]
        for f in range(1, F):
            s = s + g_v[pl.ds(f * BPW + r0, L)]
        acc_v[pl.ds(r0, L)] = s / float(F) + bias_vec
        return carry

    lax.fori_loop(0, RPF, red_body, 0)

    pltpu.sync_copy(acc_v, out_hbm.at[pl.ds(wid * BPW, BPW)])


@jax.jit
def _emb(xp, wm, wt, b16):
    mesh = plsc.VectorSubcoreMesh(core_axis_name="c", subcore_axis_name="s")
    run = functools.partial(
        pl.kernel,
        mesh=mesh,
        out_type=jax.ShapeDtypeStruct((B,), jnp.float32),
        scratch_types=[
            pltpu.VMEM((BPW, F), jnp.int32),
            pltpu.VMEM((CPW,), jnp.int32),
            pltpu.VMEM((CPW,), jnp.float32),
            pltpu.VMEM((BPW,), jnp.float32),
            pltpu.VMEM((V - VMAIN,), jnp.float32),
            pltpu.VMEM((L,), jnp.float32),
            pltpu.SemaphoreType.DMA,
        ],
        compiler_params=pltpu.CompilerParams(needs_layout_passes=False),
    )(_body)
    return run(xp, wm, wt, b16)


def kernel(x, weight, bias):
    xp = x.astype(jnp.int32)
    b16 = jnp.broadcast_to(bias.astype(jnp.float32), (L,))
    w_main = weight[:VMAIN].reshape(-1)
    w_tail = weight[VMAIN:].reshape(-1)
    out = _emb(xp, w_main, w_tail, b16)
    return out.reshape(B, 1)

# --- scband reference (transcript-rebuilt; emitter-appended) ---
"""Pipeline reference for scband-feature-linear-77687368450336 (READ-ONLY COPY).

The authoritative reference and input builder live on the scoring server;
editing this copy changes nothing except your own understanding.
"""

import jax, jax.numpy as jnp
import numpy as np

FIELD_DIMS = [100000] * 26
OUTPUT_DIM = 1
BATCH = 16384


def setup_inputs(seed: int = 0) -> dict:
    key = jax.random.key(seed)
    k_x, k_w = jax.random.split(key)
    x = jax.random.randint(k_x, (BATCH, len(FIELD_DIMS)), 0, FIELD_DIMS[0], dtype=jnp.int64 if jax.config.read('jax_enable_x64') else jnp.int32)
    total_vocab = int(np.sum(FIELD_DIMS))
    weight = jax.random.normal(k_w, (total_vocab, OUTPUT_DIM), dtype=jnp.float32) * 0.01
    bias = jnp.zeros((OUTPUT_DIM,), dtype=jnp.float32)
    return {"x": x, "weight": weight, "bias": bias}


def reference(x, weight, bias):
    # ParallelMixVocabEmbeddingBag(field_dims, output_dim, mode='mean'):
    # each field i has its own vocab slice; add cumulative offsets, gather,
    # then mean-reduce over the field dimension (EmbeddingBag mode='mean').
    offsets = jnp.asarray(np.concatenate([[0], np.cumsum(FIELD_DIMS)[:-1]]), dtype=x.dtype)
    idx = x + offsets[None, :]                    # [B, F]
    emb = jnp.take(weight, idx, axis=0)           # [B, F, output_dim]
    pooled = jnp.mean(emb, axis=1)                # [B, output_dim]
    return pooled + bias                          # FeatureLinear: fc(x) + bias

if __name__ == "__main__":
    import jax
    _d = setup_inputs()
    print(jax.jit(kernel)(*tuple(_d.values())))

</pallas_src>

<mosaic_0001>
#map = affine_map<(d0, d1) -> (0, 0)>
#map1 = affine_map<(d0, d1) -> (0)>
module attributes {stable_mosaic.version = 14 : i64} {
  func.func @_body(%arg0: i32, %arg1: i32, %arg2: memref<16384x26xi32, #tpu.memory_space<hbm>>, %arg3: memref<2599936xf32, #tpu.memory_space<hbm>>, %arg4: memref<64xf32, #tpu.memory_space<hbm>>, %arg5: memref<16xf32, #tpu.memory_space<hbm>>, %arg6: memref<16384xf32, #tpu.memory_space<hbm>>, %arg7: memref<512x26xi32, #tpu.memory_space<vmem>>, %arg8: memref<13312xi32, #tpu.memory_space<vmem>>, %arg9: memref<13312xf32, #tpu.memory_space<vmem>>, %arg10: memref<512xf32, #tpu.memory_space<vmem>>, %arg11: memref<64xf32, #tpu.memory_space<vmem>>, %arg12: memref<16xf32, #tpu.memory_space<vmem>>, %arg13: memref<!tpu.dma_semaphore, #tpu.memory_space<semaphore_mem>>) attributes {dimension_semantics = [#tpu.dimension_semantics<core_parallel>, #tpu.dimension_semantics<subcore_parallel>], iteration_bounds = array<i64: 2, 16>, scalar_prefetch = 0 : i64, scratch_operands = 7 : i64, tpu.core_type = #tpu.core_type<sc_vector_subcore>, window_params = [{transform_indices = #map}, {transform_indices = #map1}, {transform_indices = #map1}, {transform_indices = #map1}, {transform_indices = #map1}]} {
    %mul3A = arith.constant 2 : i32
    %mul3A_0 = arith.muli %arg1, %mul3A : i32
    %add3A = arith.addi %mul3A_0, %arg0 : i32
    %mul3A_1 = arith.constant 512 : i32
    %mul3A_2 = arith.muli %add3A, %mul3A_1 : i32
    "tpu.region"() ({
      %run_scoped3A = tpu.sem_alloc : memref<!tpu.dma_semaphore, #tpu.memory_space<semaphore_mem>>
      %dma_start3A_303 = arith.constant 0 : i32
      %dma_start3A_304 = tpu.memref_slice %arg2[%mul3A_2, %dma_start3A_303] : memref<16384x26xi32, #tpu.memory_space<hbm>> -> memref<512x26xi32, #tpu.memory_space<hbm>>
      %dma_start3A_305 = arith.constant 0 : i32
      %dma_start3A_306 = tpu.memref_slice %arg2[%mul3A_2, %dma_start3A_305] : memref<16384x26xi32, #tpu.memory_space<hbm>> -> memref<512x26xi32, #tpu.memory_space<hbm>>
      tpu.enqueue_dma source(%dma_start3A_306 : memref<512x26xi32, #tpu.memory_space<hbm>>) target(%arg7 : memref<512x26xi32, #tpu.memory_space<vmem>>) target_semaphore(%run_scoped3A : memref<!tpu.dma_semaphore, #tpu.memory_space<semaphore_mem>>)
      %dma_wait3A_307 = arith.constant 0 : i32
      %dma_wait3A_308 = tpu.memref_slice %arg2[%mul3A_2, %dma_wait3A_307] : memref<16384x26xi32, #tpu.memory_space<hbm>> -> memref<512x26xi32, #tpu.memory_space<hbm>>
      %dma_wait3A_309 = arith.constant 0 : i32
      %dma_wait3A_310 = tpu.memref_slice %arg2[%mul3A_2, %dma_wait3A_309] : memref<16384x26xi32, #tpu.memory_space<hbm>> -> memref<512x26xi32, #tpu.memory_space<hbm>>
      tpu.wait_dma2 semaphore(%run_scoped3A : memref<!tpu.dma_semaphore, #tpu.memory_space<semaphore_mem>>) src(%dma_wait3A_310 : memref<512x26xi32, #tpu.memory_space<hbm>>) dst(%arg7 : memref<512x26xi32, #tpu.memory_space<vmem>>)
      tpu.yield
    }) : () -> ()
    "tpu.region"() ({
      %run_scoped3A = tpu.sem_alloc : memref<!tpu.dma_semaphore, #tpu.memory_space<semaphore_mem>>
      tpu.enqueue_dma source(%arg4 : memref<64xf32, #tpu.memory_space<hbm>>) target(%arg11 : memref<64xf32, #tpu.memory_space<vmem>>) target_semaphore(%run_scoped3A : memref<!tpu.dma_semaphore, #tpu.memory_space<semaphore_mem>>)
      tpu.wait_dma2 semaphore(%run_scoped3A : memref<!tpu.dma_semaphore, #tpu.memory_space<semaphore_mem>>) src(%arg4 : memref<64xf32, #tpu.memory_space<hbm>>) dst(%arg11 : memref<64xf32, #tpu.memory_space<vmem>>)
      tpu.yield
    }) : () -> ()
    "tpu.region"() ({
      %run_scoped3A = tpu.sem_alloc : memref<!tpu.dma_semaphore, #tpu.memory_space<semaphore_mem>>
      tpu.enqueue_dma source(%arg5 : memref<16xf32, #tpu.memory_space<hbm>>) target(%arg12 : memref<16xf32, #tpu.memory_space<vmem>>) target_semaphore(%run_scoped3A : memref<!tpu.dma_semaphore, #tpu.memory_space<semaphore_mem>>)
      tpu.wait_dma2 semaphore(%run_scoped3A : memref<!tpu.dma_semaphore, #tpu.memory_space<semaphore_mem>>) src(%arg5 : memref<16xf32, #tpu.memory_space<hbm>>) dst(%arg12 : memref<16xf32, #tpu.memory_space<vmem>>)
      tpu.yield
    }) : () -> ()
    %iota3A = tpu.iota {dimensions = array<i32: 0>} : vector<16xi32>
    %scan3A = arith.constant 0 : i32
    %scan3A_3 = arith.constant 0 : i32
    %scan3A_4 = arith.constant 52 : i32
    %scan3A_5 = arith.addi %scan3A_3, %scan3A_4 : i32
    %scan3A_6 = arith.constant 1 : i32
    scf.for %scan3A_303 = %scan3A_3 to %scan3A_5 step %scan3A_6  : i32 {
      %add3A_304 = arith.constant 0 : i32
      %add3A_305 = arith.addi %add3A_304, %scan3A_303 : i32
      %shift_right_arithmetic3A = arith.constant 5 : i32
      %shift_right_arithmetic3A_306 = arith.shrsi %add3A_305, %shift_right_arithmetic3A : i32
      %and3A = arith.constant 31 : i32
      %and3A_307 = arith.andi %add3A_305, %and3A : i32
      %mul3A_308 = arith.constant 16 : i32
      %mul3A_309 = arith.muli %and3A_307, %mul3A_308 : i32
      %add3A_310 = vector.broadcast %mul3A_309 : i32 to vector<16xi32>
      %add3A_311 = arith.addi %add3A_310, %iota3A : vector<16xi32>
      %broadcast_in_dim3A = arith.constant 0 : i32
      %broadcast_in_dim3A_312 = vector.broadcast %broadcast_in_dim3A : i32 to vector<16xi32>
      %add3A_313 = vector.broadcast %shift_right_arithmetic3A_306 : i32 to vector<16xi32>
      %add3A_314 = arith.addi %add3A_313, %broadcast_in_dim3A_312 : vector<16xi32>
      %gather3A = tpu.vector_load_idx %arg7[%add3A_311, %add3A_314] : memref<512x26xi32, #tpu.memory_space<vmem>>[vector<16xi32>, vector<16xi32>], vector<16xi32>,
      %mul3A_315 = arith.constant 100000 : i32
      %mul3A_316 = arith.muli %shift_right_arithmetic3A_306, %mul3A_315 : i32
      %add3A_317 = vector.broadcast %mul3A_316 : i32 to vector<16xi32>
      %add3A_318 = arith.addi %gather3A, %add3A_317 : vector<16xi32>
      %min3A = arith.constant 2599935 : i32
      %min3A_319 = vector.broadcast %min3A : i32 to vector<16xi32>
      %min3A_320 = arith.minsi %add3A_318, %min3A_319 : vector<16xi32>
      %mul3A_321 = arith.constant 16 : i32
      %mul3A_322 = arith.muli %add3A_305, %mul3A_321 : i32
      %swap3A = arith.index_cast %mul3A_322 : i32 to index
      %swap3A_323 = tpu.vector_load %arg8[%swap3A] {strides = array<i32>} : memref<13312xi32, #tpu.memory_space<vmem>>, vector<16xi32>,
      tpu.vector_store %arg8[%swap3A], %min3A_320 {strides = array<i32>} : memref<13312xi32, #tpu.memory_space<vmem>>, vector<16xi32>,
    }
    %scan3A_7 = arith.constant 52 : i32
    %dma_start3A = arith.constant 0 : i32
    %dma_start3A_8 = tpu.memref_slice %arg9[%dma_start3A] : memref<13312xf32, #tpu.memory_space<vmem>> -> memref<832xf32, #tpu.memory_space<vmem>>
    %dma_start3A_9 = arith.constant 0 : i32
    %dma_start3A_10 = tpu.memref_slice %arg8[%dma_start3A_9] : memref<13312xi32, #tpu.memory_space<vmem>> -> memref<832xi32, #tpu.memory_space<vmem>>
    %dma_start3A_11 = arith.constant 0 : i32
    %dma_start3A_12 = tpu.memref_slice %arg3[%dma_start3A_11] : memref<2599936xf32, #tpu.memory_space<hbm>> -> memref<2599936xf32, #tpu.memory_space<hbm>>
    tpu.enqueue_indirect_dma source(%dma_start3A_12 : memref<2599936xf32, #tpu.memory_space<hbm>>) target(%dma_start3A_8 : memref<832xf32, #tpu.memory_space<vmem>>) offsets(%dma_start3A_10 : memref<832xi32, #tpu.memory_space<vmem>>) semaphore(%arg13 : memref<!tpu.dma_semaphore, #tpu.memory_space<semaphore_mem>>)
    %scan3A_13 = arith.constant 0 : i32
    %scan3A_14 = arith.constant 0 : i32
    %scan3A_15 = arith.constant 52 : i32
    %scan3A_16 = arith.addi %scan3A_14, %scan3A_15 : i32
    %scan3A_17 = arith.constant 1 : i32
    scf.for %scan3A_303 = %scan3A_14 to %scan3A_16 step %scan3A_17  : i32 {
      %add3A_304 = arith.constant 52 : i32
      %add3A_305 = arith.addi %add3A_304, %scan3A_303 : i32
      %shift_right_arithmetic3A = arith.constant 5 : i32
      %shift_right_arithmetic3A_306 = arith.shrsi %add3A_305, %shift_right_arithmetic3A : i32
      %and3A = arith.constant 31 : i32
      %and3A_307 = arith.andi %add3A_305, %and3A : i32
      %mul3A_308 = arith.constant 16 : i32
      %mul3A_309 = arith.muli %and3A_307, %mul3A_308 : i32
      %add3A_310 = vector.broadcast %mul3A_309 : i32 to vector<16xi32>
      %add3A_311 = arith.addi %add3A_310, %iota3A : vector<16xi32>
      %broadcast_in_dim3A = arith.constant 0 : i32
      %broadcast_in_dim3A_312 = vector.broadcast %broadcast_in_dim3A : i32 to vector<16xi32>
      %add3A_313 = vector.broadcast %shift_right_arithmetic3A_306 : i32 to vector<16xi32>
      %add3A_314 = arith.addi %add3A_313, %broadcast_in_dim3A_312 : vector<16xi32>
      %gather3A = tpu.vector_load_idx %arg7[%add3A_311, %add3A_314] : memref<512x26xi32, #tpu.memory_space<vmem>>[vector<16xi32>, vector<16xi32>], vector<16xi32>,
      %mul3A_315 = arith.constant 100000 : i32
      %mul3A_316 = arith.muli %shift_right_arithmetic3A_306, %mul3A_315 : i32
      %add3A_317 = vector.broadcast %mul3A_316 : i32 to vector<16xi32>
      %add3A_318 = arith.addi %gather3A, %add3A_317 : vector<16xi32>
      %min3A = arith.constant 2599935 : i32
      %min3A_319 = vector.broadcast %min3A : i32 to vector<16xi32>
      %min3A_320 = arith.minsi %add3A_318, %min3A_319 : vector<16xi32>
      %mul3A_321 = arith.constant 16 : i32
      %mul3A_322 = arith.muli %add3A_305, %mul3A_321 : i32
      %swap3A = arith.index_cast %mul3A_322 : i32 to index
      %swap3A_323 = tpu.vector_load %arg8[%swap3A] {strides = array<i32>} : memref<13312xi32, #tpu.memory_space<vmem>>, vector<16xi32>,
      tpu.vector_store %arg8[%swap3A], %min3A_320 {strides = array<i32>} : memref<13312xi32, #tpu.memory_space<vmem>>, vector<16xi32>,
    }
    %scan3A_18 = arith.constant 52 : i32
    %dma_start3A_19 = arith.constant 832 : i32
    %dma_start3A_20 = tpu.memref_slice %arg9[%dma_start3A_19] : memref<13312xf32, #tpu.memory_space<vmem>> -> memref<832xf32, #tpu.memory_space<vmem>>
    %dma_start3A_21 = arith.constant 832 : i32
    %dma_start3A_22 = tpu.memref_slice %arg8[%dma_start3A_21] : memref<13312xi32, #tpu.memory_space<vmem>> -> memref<832xi32, #tpu.memory_space<vmem>>
    %dma_start3A_23 = arith.constant 0 : i32
    %dma_start3A_24 = tpu.memref_slice %arg3[%dma_start3A_23] : memref<2599936xf32, #tpu.memory_space<hbm>> -> memref<2599936xf32, #tpu.memory_space<hbm>>
    tpu.enqueue_indirect_dma source(%dma_start3A_24 : memref<2599936xf32, #tpu.memory_space<hbm>>) target(%dma_start3A_20 : memref<832xf32, #tpu.memory_space<vmem>>) offsets(%dma_start3A_22 : memref<832xi32, #tpu.memory_space<vmem>>) semaphore(%arg13 : memref<!tpu.dma_semaphore, #tpu.memory_space<semaphore_mem>>)
    %scan3A_25 = arith.constant 0 : i32
    %scan3A_26 = arith.constant 0 : i32
    %scan3A_27 = arith.constant 52 : i32
    %scan3A_28 = arith.addi %scan3A_26, %scan3A_27 : i32
    %scan3A_29 = arith.constant 1 : i32
    scf.for %scan3A_303 = %scan3A_26 to %scan3A_28 step %scan3A_29  : i32 {
      %add3A_304 = arith.constant 104 : i32
      %add3A_305 = arith.addi %add3A_304, %scan3A_303 : i32
      %shift_right_arithmetic3A = arith.constant 5 : i32
      %shift_right_arithmetic3A_306 = arith.shrsi %add3A_305, %shift_right_arithmetic3A : i32
      %and3A = arith.constant 31 : i32
      %and3A_307 = arith.andi %add3A_305, %and3A : i32
      %mul3A_308 = arith.constant 16 : i32
      %mul3A_309 = arith.muli %and3A_307, %mul3A_308 : i32
      %add3A_310 = vector.broadcast %mul3A_309 : i32 to vector<16xi32>
      %add3A_311 = arith.addi %add3A_310, %iota3A : vector<16xi32>
      %broadcast_in_dim3A = arith.constant 0 : i32
      %broadcast_in_dim3A_312 = vector.broadcast %broadcast_in_dim3A : i32 to vector<16xi32>
      %add3A_313 = vector.broadcast %shift_right_arithmetic3A_306 : i32 to vector<16xi32>
      %add3A_314 = arith.addi %add3A_313, %broadcast_in_dim3A_312 : vector<16xi32>
      %gather3A = tpu.vector_load_idx %arg7[%add3A_311, %add3A_314] : memref<512x26xi32, #tpu.memory_space<vmem>>[vector<16xi32>, vector<16xi32>], vector<16xi32>,
      %mul3A_315 = arith.constant 100000 : i32
      %mul3A_316 = arith.muli %shift_right_arithmetic3A_306, %mul3A_315 : i32
      %add3A_317 = vector.broadcast %mul3A_316 : i32 to vector<16xi32>
      %add3A_318 = arith.addi %gather3A, %add3A_317 : vector<16xi32>
      %min3A = arith.constant 2599935 : i32
      %min3A_319 = vector.broadcast %min3A : i32 to vector<16xi32>
      %min3A_320 = arith.minsi %add3A_318, %min3A_319 : vector<16xi32>
      %mul3A_321 = arith.constant 16 : i32
      %mul3A_322 = arith.muli %add3A_305, %mul3A_321 : i32
      %swap3A = arith.index_cast %mul3A_322 : i32 to index
      %swap3A_323 = tpu.vector_load %arg8[%swap3A] {strides = array<i32>} : memref<13312xi32, #tpu.memory_space<vmem>>, vector<16xi32>,
      tpu.vector_store %arg8[%swap3A], %min3A_320 {strides = array<i32>} : memref<13312xi32, #tpu.memory_space<vmem>>, vector<16xi32>,
    }
    %scan3A_30 = arith.constant 52 : i32
    %dma_start3A_31 = arith.constant 1664 : i32
    %dma_start3A_32 = tpu.memref_slice %arg9[%dma_start3A_31] : memref<13312xf32, #tpu.memory_space<vmem>> -> memref<832xf32, #tpu.memory_space<vmem>>
    %dma_start3A_33 = arith.constant 1664 : i32
    %dma_start3A_34 = tpu.memref_slice %arg8[%dma_start3A_33] : memref<13312xi32, #tpu.memory_space<vmem>> -> memref<832xi32, #tpu.memory_space<vmem>>
    %dma_start3A_35 = arith.constant 0 : i32
    %dma_start3A_36 = tpu.memref_slice %arg3[%dma_start3A_35] : memref<2599936xf32, #tpu.memory_space<hbm>> -> memref<2599936xf32, #tpu.memory_space<hbm>>
    tpu.enqueue_indirect_dma source(%dma_start3A_36 : memref<2599936xf32, #tpu.memory_space<hbm>>) target(%dma_start3A_32 : memref<832xf32, #tpu.memory_space<vmem>>) offsets(%dma_start3A_34 : memref<832xi32, #tpu.memory_space<vmem>>) semaphore(%arg13 : memref<!tpu.dma_semaphore, #tpu.memory_space<semaphore_mem>>)
    %scan3A_37 = arith.constant 0 : i32
    %scan3A_38 = arith.constant 0 : i32
    %scan3A_39 = arith.constant 52 : i32
    %scan3A_40 = arith.addi %scan3A_38, %scan3A_39 : i32
    %scan3A_41 = arith.constant 1 : i32
    scf.for %scan3A_303 = %scan3A_38 to %scan3A_40 step %scan3A_41  : i32 {
      %add3A_304 = arith.constant 156 : i32
      %add3A_305 = arith.addi %add3A_304, %scan3A_303 : i32
      %shift_right_arithmetic3A = arith.constant 5 : i32
      %shift_right_arithmetic3A_306 = arith.shrsi %add3A_305, %shift_right_arithmetic3A : i32
      %and3A = arith.constant 31 : i32
      %and3A_307 = arith.andi %add3A_305, %and3A : i32
      %mul3A_308 = arith.constant 16 : i32
      %mul3A_309 = arith.muli %and3A_307, %mul3A_308 : i32
      %add3A_310 = vector.broadcast %mul3A_309 : i32 to vector<16xi32>
      %add3A_311 = arith.addi %add3A_310, %iota3A : vector<16xi32>
      %broadcast_in_dim3A = arith.constant 0 : i32
      %broadcast_in_dim3A_312 = vector.broadcast %broadcast_in_dim3A : i32 to vector<16xi32>
      %add3A_313 = vector.broadcast %shift_right_arithmetic3A_306 : i32 to vector<16xi32>
      %add3A_314 = arith.addi %add3A_313, %broadcast_in_dim3A_312 : vector<16xi32>
      %gather3A = tpu.vector_load_idx %arg7[%add3A_311, %add3A_314] : memref<512x26xi32, #tpu.memory_space<vmem>>[vector<16xi32>, vector<16xi32>], vector<16xi32>,
      %mul3A_315 = arith.constant 100000 : i32
      %mul3A_316 = arith.muli %shift_right_arithmetic3A_306, %mul3A_315 : i32
      %add3A_317 = vector.broadcast %mul3A_316 : i32 to vector<16xi32>
      %add3A_318 = arith.addi %gather3A, %add3A_317 : vector<16xi32>
      %min3A = arith.constant 2599935 : i32
      %min3A_319 = vector.broadcast %min3A : i32 to vector<16xi32>
      %min3A_320 = arith.minsi %add3A_318, %min3A_319 : vector<16xi32>
      %mul3A_321 = arith.constant 16 : i32
      %mul3A_322 = arith.muli %add3A_305, %mul3A_321 : i32
      %swap3A = arith.index_cast %mul3A_322 : i32 to index
      %swap3A_323 = tpu.vector_load %arg8[%swap3A] {strides = array<i32>} : memref<13312xi32, #tpu.memory_space<vmem>>, vector<16xi32>,
      tpu.vector_store %arg8[%swap3A], %min3A_320 {strides = array<i32>} : memref<13312xi32, #tpu.memory_space<vmem>>, vector<16xi32>,
    }
    %scan3A_42 = arith.constant 52 : i32
    %dma_start3A_43 = arith.constant 2496 : i32
    %dma_start3A_44 = tpu.memref_slice %arg9[%dma_start3A_43] : memref<13312xf32, #tpu.memory_space<vmem>> -> memref<832xf32, #tpu.memory_space<vmem>>
    %dma_start3A_45 = arith.constant 2496 : i32
    %dma_start3A_46 = tpu.memref_slice %arg8[%dma_start3A_45] : memref<13312xi32, #tpu.memory_space<vmem>> -> memref<832xi32, #tpu.memory_space<vmem>>
    %dma_start3A_47 = arith.constant 0 : i32
    %dma_start3A_48 = tpu.memref_slice %arg3[%dma_start3A_47] : memref<2599936xf32, #tpu.memory_space<hbm>> -> memref<2599936xf32, #tpu.memory_space<hbm>>
    tpu.enqueue_indirect_dma source(%dma_start3A_48 : memref<2599936xf32, #tpu.memory_space<hbm>>) target(%dma_start3A_44 : memref<832xf32, #tpu.memory_space<vmem>>) offsets(%dma_start3A_46 : memref<832xi32, #tpu.memory_space<vmem>>) semaphore(%arg13 : memref<!tpu.dma_semaphore, #tpu.memory_space<semaphore_mem>>)
    %scan3A_49 = arith.constant 0 : i32
    %scan3A_50 = arith.constant 0 : i32
    %scan3A_51 = arith.constant 52 : i32
    %scan3A_52 = arith.addi %scan3A_50, %scan3A_51 : i32
    %scan3A_53 = arith.constant 1 : i32
    scf.for %scan3A_303 = %scan3A_50 to %scan3A_52 step %scan3A_53  : i32 {
      %add3A_304 = arith.constant 208 : i32
      %add3A_305 = arith.addi %add3A_304, %scan3A_303 : i32
      %shift_right_arithmetic3A = arith.constant 5 : i32
      %shift_right_arithmetic3A_306 = arith.shrsi %add3A_305, %shift_right_arithmetic3A : i32
      %and3A = arith.constant 31 : i32
      %and3A_307 = arith.andi %add3A_305, %and3A : i32
      %mul3A_308 = arith.constant 16 : i32
      %mul3A_309 = arith.muli %and3A_307, %mul3A_308 : i32
      %add3A_310 = vector.broadcast %mul3A_309 : i32 to vector<16xi32>
      %add3A_311 = arith.addi %add3A_310, %iota3A : vector<16xi32>
      %broadcast_in_dim3A = arith.constant 0 : i32
      %broadcast_in_dim3A_312 = vector.broadcast %broadcast_in_dim3A : i32 to vector<16xi32>
      %add3A_313 = vector.broadcast %shift_right_arithmetic3A_306 : i32 to vector<16xi32>
      %add3A_314 = arith.addi %add3A_313, %broadcast_in_dim3A_312 : vector<16xi32>
      %gather3A = tpu.vector_load_idx %arg7[%add3A_311, %add3A_314] : memref<512x26xi32, #tpu.memory_space<vmem>>[vector<16xi32>, vector<16xi32>], vector<16xi32>,
      %mul3A_315 = arith.constant 100000 : i32
      %mul3A_316 = arith.muli %shift_right_arithmetic3A_306, %mul3A_315 : i32
      %add3A_317 = vector.broadcast %mul3A_316 : i32 to vector<16xi32>
      %add3A_318 = arith.addi %gather3A, %add3A_317 : vector<16xi32>
      %min3A = arith.constant 2599935 : i32
      %min3A_319 = vector.broadcast %min3A : i32 to vector<16xi32>
      %min3A_320 = arith.minsi %add3A_318, %min3A_319 : vector<16xi32>
      %mul3A_321 = arith.constant 16 : i32
      %mul3A_322 = arith.muli %add3A_305, %mul3A_321 : i32
      %swap3A = arith.index_cast %mul3A_322 : i32 to index
      %swap3A_323 = tpu.vector_load %arg8[%swap3A] {strides = array<i32>} : memref<13312xi32, #tpu.memory_space<vmem>>, vector<16xi32>,
      tpu.vector_store %arg8[%swap3A], %min3A_320 {strides = array<i32>} : memref<13312xi32, #tpu.memory_space<vmem>>, vector<16xi32>,
    }
    %scan3A_54 = arith.constant 52 : i32
    %dma_start3A_55 = arith.constant 3328 : i32
    %dma_start3A_56 = tpu.memref_slice %arg9[%dma_start3A_55] : memref<13312xf32, #tpu.memory_space<vmem>> -> memref<832xf32, #tpu.memory_space<vmem>>
    %dma_start3A_57 = arith.constant 3328 : i32
    %dma_start3A_58 = tpu.memref_slice %arg8[%dma_start3A_57] : memref<13312xi32, #tpu.memory_space<vmem>> -> memref<832xi32, #tpu.memory_space<vmem>>
    %dma_start3A_59 = arith.constant 0 : i32
    %dma_start3A_60 = tpu.memref_slice %arg3[%dma_start3A_59] : memref<2599936xf32, #tpu.memory_space<hbm>> -> memref<2599936xf32, #tpu.memory_space<hbm>>
    tpu.enqueue_indirect_dma source(%dma_start3A_60 : memref<2599936xf32, #tpu.memory_space<hbm>>) target(%dma_start3A_56 : memref<832xf32, #tpu.memory_space<vmem>>) offsets(%dma_start3A_58 : memref<832xi32, #tpu.memory_space<vmem>>) semaphore(%arg13 : memref<!tpu.dma_semaphore, #tpu.memory_space<semaphore_mem>>)
    %scan3A_61 = arith.constant 0 : i32
    %scan3A_62 = arith.constant 0 : i32
    %scan3A_63 = arith.constant 52 : i32
    %scan3A_64 = arith.addi %scan3A_62, %scan3A_63 : i32
    %scan3A_65 = arith.constant 1 : i32
    scf.for %scan3A_303 = %scan3A_62 to %scan3A_64 step %scan3A_65  : i32 {
      %add3A_304 = arith.constant 260 : i32
      %add3A_305 = arith.addi %add3A_304, %scan3A_303 : i32
      %shift_right_arithmetic3A = arith.constant 5 : i32
      %shift_right_arithmetic3A_306 = arith.shrsi %add3A_305, %shift_right_arithmetic3A : i32
      %and3A = arith.constant 31 : i32
      %and3A_307 = arith.andi %add3A_305, %and3A : i32
      %mul3A_308 = arith.constant 16 : i32
      %mul3A_309 = arith.muli %and3A_307, %mul3A_308 : i32
      %add3A_310 = vector.broadcast %mul3A_309 : i32 to vector<16xi32>
      %add3A_311 = arith.addi %add3A_310, %iota3A : vector<16xi32>
      %broadcast_in_dim3A = arith.constant 0 : i32
      %broadcast_in_dim3A_312 = vector.broadcast %broadcast_in_dim3A : i32 to vector<16xi32>
      %add3A_313 = vector.broadcast %shift_right_arithmetic3A_306 : i32 to vector<16xi32>
      %add3A_314 = arith.addi %add3A_313, %broadcast_in_dim3A_312 : vector<16xi32>
      %gather3A = tpu.vector_load_idx %arg7[%add3A_311, %add3A_314] : memref<512x26xi32, #tpu.memory_space<vmem>>[vector<16xi32>, vector<16xi32>], vector<16xi32>,
      %mul3A_315 = arith.constant 100000 : i32
      %mul3A_316 = arith.muli %shift_right_arithmetic3A_306, %mul3A_315 : i32
      %add3A_317 = vector.broadcast %mul3A_316 : i32 to vector<16xi32>
      %add3A_318 = arith.addi %gather3A, %add3A_317 : vector<16xi32>
      %min3A = arith.constant 2599935 : i32
      %min3A_319 = vector.broadcast %min3A : i32 to vector<16xi32>
      %min3A_320 = arith.minsi %add3A_318, %min3A_319 : vector<16xi32>
      %mul3A_321 = arith.constant 16 : i32
      %mul3A_322 = arith.muli %add3A_305, %mul3A_321 : i32
      %swap3A = arith.index_cast %mul3A_322 : i32 to index
      %swap3A_323 = tpu.vector_load %arg8[%swap3A] {strides = array<i32>} : memref<13312xi32, #tpu.memory_space<vmem>>, vector<16xi32>,
      tpu.vector_store %arg8[%swap3A], %min3A_320 {strides = array<i32>} : memref<13312xi32, #tpu.memory_space<vmem>>, vector<16xi32>,
    }
    %scan3A_66 = arith.constant 52 : i32
    %dma_start3A_67 = arith.constant 4160 : i32
    %dma_start3A_68 = tpu.memref_slice %arg9[%dma_start3A_67] : memref<13312xf32, #tpu.memory_space<vmem>> -> memref<832xf32, #tpu.memory_space<vmem>>
    %dma_start3A_69 = arith.constant 4160 : i32
    %dma_start3A_70 = tpu.memref_slice %arg8[%dma_start3A_69] : memref<13312xi32, #tpu.memory_space<vmem>> -> memref<832xi32, #tpu.memory_space<vmem>>
    %dma_start3A_71 = arith.constant 0 : i32
    %dma_start3A_72 = tpu.memref_slice %arg3[%dma_start3A_71] : memref<2599936xf32, #tpu.memory_space<hbm>> -> memref<2599936xf32, #tpu.memory_space<hbm>>
    tpu.enqueue_indirect_dma source(%dma_start3A_72 : memref<2599936xf32, #tpu.memory_space<hbm>>) target(%dma_start3A_68 : memref<832xf32, #tpu.memory_space<vmem>>) offsets(%dma_start3A_70 : memref<832xi32, #tpu.memory_space<vmem>>) semaphore(%arg13 : memref<!tpu.dma_semaphore, #tpu.memory_space<semaphore_mem>>)
    %scan3A_73 = arith.constant 0 : i32
    %scan3A_74 = arith.constant 0 : i32
    %scan3A_75 = arith.constant 52 : i32
    %scan3A_76 = arith.addi %scan3A_74, %scan3A_75 : i32
    %scan3A_77 = arith.constant 1 : i32
    scf.for %scan3A_303 = %scan3A_74 to %scan3A_76 step %scan3A_77  : i32 {
      %add3A_304 = arith.constant 312 : i32
      %add3A_305 = arith.addi %add3A_304, %scan3A_303 : i32
      %shift_right_arithmetic3A = arith.constant 5 : i32
      %shift_right_arithmetic3A_306 = arith.shrsi %add3A_305, %shift_right_arithmetic3A : i32
      %and3A = arith.constant 31 : i32
      %and3A_307 = arith.andi %add3A_305, %and3A : i32
      %mul3A_308 = arith.constant 16 : i32
      %mul3A_309 = arith.muli %and3A_307, %mul3A_308 : i32
      %add3A_310 = vector.broadcast %mul3A_309 : i32 to vector<16xi32>
      %add3A_311 = arith.addi %add3A_310, %iota3A : vector<16xi32>
      %broadcast_in_dim3A = arith.constant 0 : i32
      %broadcast_in_dim3A_312 = vector.broadcast %broadcast_in_dim3A : i32 to vector<16xi32>
      %add3A_313 = vector.broadcast %shift_right_arithmetic3A_306 : i32 to vector<16xi32>
      %add3A_314 = arith.addi %add3A_313, %broadcast_in_dim3A_312 : vector<16xi32>
      %gather3A = tpu.vector_load_idx %arg7[%add3A_311, %add3A_314] : memref<512x26xi32, #tpu.memory_space<vmem>>[vector<16xi32>, vector<16xi32>], vector<16xi32>,
      %mul3A_315 = arith.constant 100000 : i32
      %mul3A_316 = arith.muli %shift_right_arithmetic3A_306, %mul3A_315 : i32
      %add3A_317 = vector.broadcast %mul3A_316 : i32 to vector<16xi32>
      %add3A_318 = arith.addi %gather3A, %add3A_317 : vector<16xi32>
      %min3A = arith.constant 2599935 : i32
      %min3A_319 = vector.broadcast %min3A : i32 to vector<16xi32>
      %min3A_320 = arith.minsi %add3A_318, %min3A_319 : vector<16xi32>
      %mul3A_321 = arith.constant 16 : i32
      %mul3A_322 = arith.muli %add3A_305, %mul3A_321 : i32
      %swap3A = arith.index_cast %mul3A_322 : i32 to index
      %swap3A_323 = tpu.vector_load %arg8[%swap3A] {strides = array<i32>} : memref<13312xi32, #tpu.memory_space<vmem>>, vector<16xi32>,
      tpu.vector_store %arg8[%swap3A], %min3A_320 {strides = array<i32>} : memref<13312xi32, #tpu.memory_space<vmem>>, vector<16xi32>,
    }
    %scan3A_78 = arith.constant 52 : i32
    %dma_start3A_79 = arith.constant 4992 : i32
    %dma_start3A_80 = tpu.memref_slice %arg9[%dma_start3A_79] : memref<13312xf32, #tpu.memory_space<vmem>> -> memref<832xf32, #tpu.memory_space<vmem>>
    %dma_start3A_81 = arith.constant 4992 : i32
    %dma_start3A_82 = tpu.memref_slice %arg8[%dma_start3A_81] : memref<13312xi32, #tpu.memory_space<vmem>> -> memref<832xi32, #tpu.memory_space<vmem>>
    %dma_start3A_83 = arith.constant 0 : i32
    %dma_start3A_84 = tpu.memref_slice %arg3[%dma_start3A_83] : memref<2599936xf32, #tpu.memory_space<hbm>> -> memref<2599936xf32, #tpu.memory_space<hbm>>
    tpu.enqueue_indirect_dma source(%dma_start3A_84 : memref<2599936xf32, #tpu.memory_space<hbm>>) target(%dma_start3A_80 : memref<832xf32, #tpu.memory_space<vmem>>) offsets(%dma_start3A_82 : memref<832xi32, #tpu.memory_space<vmem>>) semaphore(%arg13 : memref<!tpu.dma_semaphore, #tpu.memory_space<semaphore_mem>>)
    %scan3A_85 = arith.constant 0 : i32
    %scan3A_86 = arith.constant 0 : i32
    %scan3A_87 = arith.constant 52 : i32
    %scan3A_88 = arith.addi %scan3A_86, %scan3A_87 : i32
    %scan3A_89 = arith.constant 1 : i32
    scf.for %scan3A_303 = %scan3A_86 to %scan3A_88 step %scan3A_89  : i32 {
      %add3A_304 = arith.constant 364 : i32
      %add3A_305 = arith.addi %add3A_304, %scan3A_303 : i32
      %shift_right_arithmetic3A = arith.constant 5 : i32
      %shift_right_arithmetic3A_306 = arith.shrsi %add3A_305, %shift_right_arithmetic3A : i32
      %and3A = arith.constant 31 : i32
      %and3A_307 = arith.andi %add3A_305, %and3A : i32
      %mul3A_308 = arith.constant 16 : i32
      %mul3A_309 = arith.muli %and3A_307, %mul3A_308 : i32
      %add3A_310 = vector.broadcast %mul3A_309 : i32 to vector<16xi32>
      %add3A_311 = arith.addi %add3A_310, %iota3A : vector<16xi32>
      %broadcast_in_dim3A = arith.constant 0 : i32
      %broadcast_in_dim3A_312 = vector.broadcast %broadcast_in_dim3A : i32 to vector<16xi32>
      %add3A_313 = vector.broadcast %shift_right_arithmetic3A_306 : i32 to vector<16xi32>
      %add3A_314 = arith.addi %add3A_313, %broadcast_in_dim3A_312 : vector<16xi32>
      %gather3A = tpu.vector_load_idx %arg7[%add3A_311, %add3A_314] : memref<512x26xi32, #tpu.memory_space<vmem>>[vector<16xi32>, vector<16xi32>], vector<16xi32>,
      %mul3A_315 = arith.constant 100000 : i32
      %mul3A_316 = arith.muli %shift_right_arithmetic3A_306, %mul3A_315 : i32
      %add3A_317 = vector.broadcast %mul3A_316 : i32 to vector<16xi32>
      %add3A_318 = arith.addi %gather3A, %add3A_317 : vector<16xi32>
      %min3A = arith.constant 2599935 : i32
      %min3A_319 = vector.broadcast %min3A : i32 to vector<16xi32>
      %min3A_320 = arith.minsi %add3A_318, %min3A_319 : vector<16xi32>
      %mul3A_321 = arith.constant 16 : i32
      %mul3A_322 = arith.muli %add3A_305, %mul3A_321 : i32
      %swap3A = arith.index_cast %mul3A_322 : i32 to index
      %swap3A_323 = tpu.vector_load %arg8[%swap3A] {strides = array<i32>} : memref<13312xi32, #tpu.memory_space<vmem>>, vector<16xi32>,
      tpu.vector_store %arg8[%swap3A], %min3A_320 {strides = array<i32>} : memref<13312xi32, #tpu.memory_space<vmem>>, vector<16xi32>,
    }
    %scan3A_90 = arith.constant 52 : i32
    %dma_start3A_91 = arith.constant 5824 : i32
    %dma_start3A_92 = tpu.memref_slice %arg9[%dma_start3A_91] : memref<13312xf32, #tpu.memory_space<vmem>> -> memref<832xf32, #tpu.memory_space<vmem>>
    %dma_start3A_93 = arith.constant 5824 : i32
    %dma_start3A_94 = tpu.memref_slice %arg8[%dma_start3A_93] : memref<13312xi32, #tpu.memory_space<vmem>> -> memref<832xi32, #tpu.memory_space<vmem>>
    %dma_start3A_95 = arith.constant 0 : i32
    %dma_start3A_96 = tpu.memref_slice %arg3[%dma_start3A_95] : memref<2599936xf32, #tpu.memory_space<hbm>> -> memref<2599936xf32, #tpu.memory_space<hbm>>
    tpu.enqueue_indirect_dma source(%dma_start3A_96 : memref<2599936xf32, #tpu.memory_space<hbm>>) target(%dma_start3A_92 : memref<832xf32, #tpu.memory_space<vmem>>) offsets(%dma_start3A_94 : memref<832xi32, #tpu.memory_space<vmem>>) semaphore(%arg13 : memref<!tpu.dma_semaphore, #tpu.memory_space<semaphore_mem>>)
    %scan3A_97 = arith.constant 0 : i32
    %scan3A_98 = arith.constant 0 : i32
    %scan3A_99 = arith.constant 52 : i32
    %scan3A_100 = arith.addi %scan3A_98, %scan3A_99 : i32
    %scan3A_101 = arith.constant 1 : i32
    scf.for %scan3A_303 = %scan3A_98 to %scan3A_100 step %scan3A_101  : i32 {
      %add3A_304 = arith.constant 416 : i32
      %add3A_305 = arith.addi %add3A_304, %scan3A_303 : i32
      %shift_right_arithmetic3A = arith.constant 5 : i32
      %shift_right_arithmetic3A_306 = arith.shrsi %add3A_305, %shift_right_arithmetic3A : i32
      %and3A = arith.constant 31 : i32
      %and3A_307 = arith.andi %add3A_305, %and3A : i32
      %mul3A_308 = arith.constant 16 : i32
      %mul3A_309 = arith.muli %and3A_307, %mul3A_308 : i32
      %add3A_310 = vector.broadcast %mul3A_309 : i32 to vector<16xi32>
      %add3A_311 = arith.addi %add3A_310, %iota3A : vector<16xi32>
      %broadcast_in_dim3A = arith.constant 0 : i32
      %broadcast_in_dim3A_312 = vector.broadcast %broadcast_in_dim3A : i32 to vector<16xi32>
      %add3A_313 = vector.broadcast %shift_right_arithmetic3A_306 : i32 to vector<16xi32>
      %add3A_314 = arith.addi %add3A_313, %broadcast_in_dim3A_312 : vector<16xi32>
      %gather3A = tpu.vector_load_idx %arg7[%add3A_311, %add3A_314] : memref<512x26xi32, #tpu.memory_space<vmem>>[vector<16xi32>, vector<16xi32>], vector<16xi32>,
      %mul3A_315 = arith.constant 100000 : i32
      %mul3A_316 = arith.muli %shift_right_arithmetic3A_306, %mul3A_315 : i32
      %add3A_317 = vector.broadcast %mul3A_316 : i32 to vector<16xi32>
      %add3A_318 = arith.addi %gather3A, %add3A_317 : vector<16xi32>
      %min3A = arith.constant 2599935 : i32
      %min3A_319 = vector.broadcast %min3A : i32 to vector<16xi32>
      %min3A_320 = arith.minsi %add3A_318, %min3A_319 : vector<16xi32>
      %mul3A_321 = arith.constant 16 : i32
      %mul3A_322 = arith.muli %add3A_305, %mul3A_321 : i32
      %swap3A = arith.index_cast %mul3A_322 : i32 to index
      %swap3A_323 = tpu.vector_load %arg8[%swap3A] {strides = array<i32>} : memref<13312xi32, #tpu.memory_space<vmem>>, vector<16xi32>,
      tpu.vector_store %arg8[%swap3A], %min3A_320 {strides = array<i32>} : memref<13312xi32, #tpu.memory_space<vmem>>, vector<16xi32>,
    }
    %scan3A_102 = arith.constant 52 : i32
    %dma_start3A_103 = arith.constant 6656 : i32
    %dma_start3A_104 = tpu.memref_slice %arg9[%dma_start3A_103] : memref<13312xf32, #tpu.memory_space<vmem>> -> memref<832xf32, #tpu.memory_space<vmem>>
    %dma_start3A_105 = arith.constant 6656 : i32
    %dma_start3A_106 = tpu.memref_slice %arg8[%dma_start3A_105] : memref<13312xi32, #tpu.memory_space<vmem>> -> memref<832xi32, #tpu.memory_space<vmem>>
    %dma_start3A_107 = arith.constant 0 : i32
    %dma_start3A_108 = tpu.memref_slice %arg3[%dma_start3A_107] : memref<2599936xf32, #tpu.memory_space<hbm>> -> memref<2599936xf32, #tpu.memory_space<hbm>>
    tpu.enqueue_indirect_dma source(%dma_start3A_108 : memref<2599936xf32, #tpu.memory_space<hbm>>) target(%dma_start3A_104 : memref<832xf32, #tpu.memory_space<vmem>>) offsets(%dma_start3A_106 : memref<832xi32, #tpu.memory_space<vmem>>) semaphore(%arg13 : memref<!tpu.dma_semaphore, #tpu.memory_space<semaphore_mem>>)
    %scan3A_109 = arith.constant 0 : i32
    %scan3A_110 = arith.constant 0 : i32
    %scan3A_111 = arith.constant 52 : i32
    %scan3A_112 = arith.addi %scan3A_110, %scan3A_111 : i32
    %scan3A_113 = arith.constant 1 : i32
    scf.for %scan3A_303 = %scan3A_110 to %scan3A_112 step %scan3A_113  : i32 {
      %add3A_304 = arith.constant 468 : i32
      %add3A_305 = arith.addi %add3A_304, %scan3A_303 : i32
      %shift_right_arithmetic3A = arith.constant 5 : i32
      %shift_right_arithmetic3A_306 = arith.shrsi %add3A_305, %shift_right_arithmetic3A : i32
      %and3A = arith.constant 31 : i32
      %and3A_307 = arith.andi %add3A_305, %and3A : i32
      %mul3A_308 = arith.constant 16 : i32
      %mul3A_309 = arith.muli %and3A_307, %mul3A_308 : i32
      %add3A_310 = vector.broadcast %mul3A_309 : i32 to vector<16xi32>
      %add3A_311 = arith.addi %add3A_310, %iota3A : vector<16xi32>
      %broadcast_in_dim3A = arith.constant 0 : i32
      %broadcast_in_dim3A_312 = vector.broadcast %broadcast_in_dim3A : i32 to vector<16xi32>
      %add3A_313 = vector.broadcast %shift_right_arithmetic3A_306 : i32 to vector<16xi32>
      %add3A_314 = arith.addi %add3A_313, %broadcast_in_dim3A_312 : vector<16xi32>
      %gather3A = tpu.vector_load_idx %arg7[%add3A_311, %add3A_314] : memref<512x26xi32, #tpu.memory_space<vmem>>[vector<16xi32>, vector<16xi32>], vector<16xi32>,
      %mul3A_315 = arith.constant 100000 : i32
      %mul3A_316 = arith.muli %shift_right_arithmetic3A_306, %mul3A_315 : i32
      %add3A_317 = vector.broadcast %mul3A_316 : i32 to vector<16xi32>
      %add3A_318 = arith.addi %gather3A, %add3A_317 : vector<16xi32>
      %min3A = arith.constant 2599935 : i32
      %min3A_319 = vector.broadcast %min3A : i32 to vector<16xi32>
      %min3A_320 = arith.minsi %add3A_318, %min3A_319 : vector<16xi32>
      %mul3A_321 = arith.constant 16 : i32
      %mul3A_322 = arith.muli %add3A_305, %mul3A_321 : i32
      %swap3A = arith.index_cast %mul3A_322 : i32 to index
      %swap3A_323 = tpu.vector_load %arg8[%swap3A] {strides = array<i32>} : memref<13312xi32, #tpu.memory_space<vmem>>, vector<16xi32>,
      tpu.vector_store %arg8[%swap3A], %min3A_320 {strides = array<i32>} : memref<13312xi32, #tpu.memory_space<vmem>>, vector<16xi32>,
    }
    %scan3A_114 = arith.constant 52 : i32
    %dma_start3A_115 = arith.constant 7488 : i32
    %dma_start3A_116 = tpu.memref_slice %arg9[%dma_start3A_115] : memref<13312xf32, #tpu.memory_space<vmem>> -> memref<832xf32, #tpu.memory_space<vmem>>
    %dma_start3A_117 = arith.constant 7488 : i32
    %dma_start3A_118 = tpu.memref_slice %arg8[%dma_start3A_117] : memref<13312xi32, #tpu.memory_space<vmem>> -> memref<832xi32, #tpu.memory_space<vmem>>
    %dma_start3A_119 = arith.constant 0 : i32
    %dma_start3A_120 = tpu.memref_slice %arg3[%dma_start3A_119] : memref<2599936xf32, #tpu.memory_space<hbm>> -> memref<2599936xf32, #tpu.memory_space<hbm>>
    tpu.enqueue_indirect_dma source(%dma_start3A_120 : memref<2599936xf32, #tpu.memory_space<hbm>>) target(%dma_start3A_116 : memref<832xf32, #tpu.memory_space<vmem>>) offsets(%dma_start3A_118 : memref<832xi32, #tpu.memory_space<vmem>>) semaphore(%arg13 : memref<!tpu.dma_semaphore, #tpu.memory_space<semaphore_mem>>)
    %scan3A_121 = arith.constant 0 : i32
    %scan3A_122 = arith.constant 0 : i32
    %scan3A_123 = arith.constant 52 : i32
    %scan3A_124 = arith.addi %scan3A_122, %scan3A_123 : i32
    %scan3A_125 = arith.constant 1 : i32
    scf.for %scan3A_303 = %scan3A_122 to %scan3A_124 step %scan3A_125  : i32 {
      %add3A_304 = arith.constant 520 : i32
      %add3A_305 = arith.addi %add3A_304, %scan3A_303 : i32
      %shift_right_arithmetic3A = arith.constant 5 : i32
      %shift_right_arithmetic3A_306 = arith.shrsi %add3A_305, %shift_right_arithmetic3A : i32
      %and3A = arith.constant 31 : i32
      %and3A_307 = arith.andi %add3A_305, %and3A : i32
      %mul3A_308 = arith.constant 16 : i32
      %mul3A_309 = arith.muli %and3A_307, %mul3A_308 : i32
      %add3A_310 = vector.broadcast %mul3A_309 : i32 to vector<16xi32>
      %add3A_311 = arith.addi %add3A_310, %iota3A : vector<16xi32>
      %broadcast_in_dim3A = arith.constant 0 : i32
      %broadcast_in_dim3A_312 = vector.broadcast %broadcast_in_dim3A : i32 to vector<16xi32>
      %add3A_313 = vector.broadcast %shift_right_arithmetic3A_306 : i32 to vector<16xi32>
      %add3A_314 = arith.addi %add3A_313, %broadcast_in_dim3A_312 : vector<16xi32>
      %gather3A = tpu.vector_load_idx %arg7[%add3A_311, %add3A_314] : memref<512x26xi32, #tpu.memory_space<vmem>>[vector<16xi32>, vector<16xi32>], vector<16xi32>,
      %mul3A_315 = arith.constant 100000 : i32
      %mul3A_316 = arith.muli %shift_right_arithmetic3A_306, %mul3A_315 : i32
      %add3A_317 = vector.broadcast %mul3A_316 : i32 to vector<16xi32>
      %add3A_318 = arith.addi %gather3A, %add3A_317 : vector<16xi32>
      %min3A = arith.constant 2599935 : i32
      %min3A_319 = vector.broadcast %min3A : i32 to vector<16xi32>
      %min3A_320 = arith.minsi %add3A_318, %min3A_319 : vector<16xi32>
      %mul3A_321 = arith.constant 16 : i32
      %mul3A_322 = arith.muli %add3A_305, %mul3A_321 : i32
      %swap3A = arith.index_cast %mul3A_322 : i32 to index
      %swap3A_323 = tpu.vector_load %arg8[%swap3A] {strides = array<i32>} : memref<13312xi32, #tpu.memory_space<vmem>>, vector<16xi32>,
      tpu.vector_store %arg8[%swap3A], %min3A_320 {strides = array<i32>} : memref<13312xi32, #tpu.memory_space<vmem>>, vector<16xi32>,
    }
    %scan3A_126 = arith.constant 52 : i32
    %dma_start3A_127 = arith.constant 8320 : i32
    %dma_start3A_128 = tpu.memref_slice %arg9[%dma_start3A_127] : memref<13312xf32, #tpu.memory_space<vmem>> -> memref<832xf32, #tpu.memory_space<vmem>>
    %dma_start3A_129 = arith.constant 8320 : i32
    %dma_start3A_130 = tpu.memref_slice %arg8[%dma_start3A_129] : memref<13312xi32, #tpu.memory_space<vmem>> -> memref<832xi32, #tpu.memory_space<vmem>>
    %dma_start3A_131 = arith.constant 0 : i32
    %dma_start3A_132 = tpu.memref_slice %arg3[%dma_start3A_131] : memref<2599936xf32, #tpu.memory_space<hbm>> -> memref<2599936xf32, #tpu.memory_space<hbm>>
    tpu.enqueue_indirect_dma source(%dma_start3A_132 : memref<2599936xf32, #tpu.memory_space<hbm>>) target(%dma_start3A_128 : memref<832xf32, #tpu.memory_space<vmem>>) offsets(%dma_start3A_130 : memref<832xi32, #tpu.memory_space<vmem>>) semaphore(%arg13 : memref<!tpu.dma_semaphore, #tpu.memory_space<semaphore_mem>>)
    %scan3A_133 = arith.constant 0 : i32
    %scan3A_134 = arith.constant 0 : i32
    %scan3A_135 = arith.constant 52 : i32
    %scan3A_136 = arith.addi %scan3A_134, %scan3A_135 : i32
    %scan3A_137 = arith.constant 1 : i32
    scf.for %scan3A_303 = %scan3A_134 to %scan3A_136 step %scan3A_137  : i32 {
      %add3A_304 = arith.constant 572 : i32
      %add3A_305 = arith.addi %add3A_304, %scan3A_303 : i32
      %shift_right_arithmetic3A = arith.constant 5 : i32
      %shift_right_arithmetic3A_306 = arith.shrsi %add3A_305, %shift_right_arithmetic3A : i32
      %and3A = arith.constant 31 : i32
      %and3A_307 = arith.andi %add3A_305, %and3A : i32
      %mul3A_308 = arith.constant 16 : i32
      %mul3A_309 = arith.muli %and3A_307, %mul3A_308 : i32
      %add3A_310 = vector.broadcast %mul3A_309 : i32 to vector<16xi32>
      %add3A_311 = arith.addi %add3A_310, %iota3A : vector<16xi32>
      %broadcast_in_dim3A = arith.constant 0 : i32
      %broadcast_in_dim3A_312 = vector.broadcast %broadcast_in_dim3A : i32 to vector<16xi32>
      %add3A_313 = vector.broadcast %shift_right_arithmetic3A_306 : i32 to vector<16xi32>
      %add3A_314 = arith.addi %add3A_313, %broadcast_in_dim3A_312 : vector<16xi32>
      %gather3A = tpu.vector_load_idx %arg7[%add3A_311, %add3A_314] : memref<512x26xi32, #tpu.memory_space<vmem>>[vector<16xi32>, vector<16xi32>], vector<16xi32>,
      %mul3A_315 = arith.constant 100000 : i32
      %mul3A_316 = arith.muli %shift_right_arithmetic3A_306, %mul3A_315 : i32
      %add3A_317 = vector.broadcast %mul3A_316 : i32 to vector<16xi32>
      %add3A_318 = arith.addi %gather3A, %add3A_317 : vector<16xi32>
      %min3A = arith.constant 2599935 : i32
      %min3A_319 = vector.broadcast %min3A : i32 to vector<16xi32>
      %min3A_320 = arith.minsi %add3A_318, %min3A_319 : vector<16xi32>
      %mul3A_321 = arith.constant 16 : i32
      %mul3A_322 = arith.muli %add3A_305, %mul3A_321 : i32
      %swap3A = arith.index_cast %mul3A_322 : i32 to index
      %swap3A_323 = tpu.vector_load %arg8[%swap3A] {strides = array<i32>} : memref<13312xi32, #tpu.memory_space<vmem>>, vector<16xi32>,
      tpu.vector_store %arg8[%swap3A], %min3A_320 {strides = array<i32>} : memref<13312xi32, #tpu.memory_space<vmem>>, vector<16xi32>,
    }
    %scan3A_138 = arith.constant 52 : i32
    %dma_start3A_139 = arith.constant 9152 : i32
    %dma_start3A_140 = tpu.memref_slice %arg9[%dma_start3A_139] : memref<13312xf32, #tpu.memory_space<vmem>> -> memref<832xf32, #tpu.memory_space<vmem>>
    %dma_start3A_141 = arith.constant 9152 : i32
    %dma_start3A_142 = tpu.memref_slice %arg8[%dma_start3A_141] : memref<13312xi32, #tpu.memory_space<vmem>> -> memref<832xi32, #tpu.memory_space<vmem>>
    %dma_start3A_143 = arith.constant 0 : i32
    %dma_start3A_144 = tpu.memref_slice %arg3[%dma_start3A_143] : memref<2599936xf32, #tpu.memory_space<hbm>> -> memref<2599936xf32, #tpu.memory_space<hbm>>
    tpu.enqueue_indirect_dma source(%dma_start3A_144 : memref<2599936xf32, #tpu.memory_space<hbm>>) target(%dma_start3A_140 : memref<832xf32, #tpu.memory_space<vmem>>) offsets(%dma_start3A_142 : memref<832xi32, #tpu.memory_space<vmem>>) semaphore(%arg13 : memref<!tpu.dma_semaphore, #tpu.memory_space<semaphore_mem>>)
    %scan3A_145 = arith.constant 0 : i32
    %scan3A_146 = arith.constant 0 : i32
    %scan3A_147 = arith.constant 52 : i32
    %scan3A_148 = arith.addi %scan3A_146, %scan3A_147 : i32
    %scan3A_149 = arith.constant 1 : i32
    scf.for %scan3A_303 = %scan3A_146 to %scan3A_148 step %scan3A_149  : i32 {
      %add3A_304 = arith.constant 624 : i32
      %add3A_305 = arith.addi %add3A_304, %scan3A_303 : i32
      %shift_right_arithmetic3A = arith.constant 5 : i32
      %shift_right_arithmetic3A_306 = arith.shrsi %add3A_305, %shift_right_arithmetic3A : i32
      %and3A = arith.constant 31 : i32
      %and3A_307 = arith.andi %add3A_305, %and3A : i32
      %mul3A_308 = arith.constant 16 : i32
      %mul3A_309 = arith.muli %and3A_307, %mul3A_308 : i32
      %add3A_310 = vector.broadcast %mul3A_309 : i32 to vector<16xi32>
      %add3A_311 = arith.addi %add3A_310, %iota3A : vector<16xi32>
      %broadcast_in_dim3A = arith.constant 0 : i32
      %broadcast_in_dim3A_312 = vector.broadcast %broadcast_in_dim3A : i32 to vector<16xi32>
      %add3A_313 = vector.broadcast %shift_right_arithmetic3A_306 : i32 to vector<16xi32>
      %add3A_314 = arith.addi %add3A_313, %broadcast_in_dim3A_312 : vector<16xi32>
      %gather3A = tpu.vector_load_idx %arg7[%add3A_311, %add3A_314] : memref<512x26xi32, #tpu.memory_space<vmem>>[vector<16xi32>, vector<16xi32>], vector<16xi32>,
      %mul3A_315 = arith.constant 100000 : i32
      %mul3A_316 = arith.muli %shift_right_arithmetic3A_306, %mul3A_315 : i32
      %add3A_317 = vector.broadcast %mul3A_316 : i32 to vector<16xi32>
      %add3A_318 = arith.addi %gather3A, %add3A_317 : vector<16xi32>
      %min3A = arith.constant 2599935 : i32
      %min3A_319 = vector.broadcast %min3A : i32 to vector<16xi32>
      %min3A_320 = arith.minsi %add3A_318, %min3A_319 : vector<16xi32>
      %mul3A_321 = arith.constant 16 : i32
      %mul3A_322 = arith.muli %add3A_305, %mul3A_321 : i32
      %swap3A = arith.index_cast %mul3A_322 : i32 to index
      %swap3A_323 = tpu.vector_load %arg8[%swap3A] {strides = array<i32>} : memref<13312xi32, #tpu.memory_space<vmem>>, vector<16xi32>,
      tpu.vector_store %arg8[%swap3A], %min3A_320 {strides = array<i32>} : memref<13312xi32, #tpu.memory_space<vmem>>, vector<16xi32>,
    }
    %scan3A_150 = arith.constant 52 : i32
    %dma_start3A_151 = arith.constant 9984 : i32
    %dma_start3A_152 = tpu.memref_slice %arg9[%dma_start3A_151] : memref<13312xf32, #tpu.memory_space<vmem>> -> memref<832xf32, #tpu.memory_space<vmem>>
    %dma_start3A_153 = arith.constant 9984 : i32
    %dma_start3A_154 = tpu.memref_slice %arg8[%dma_start3A_153] : memref<13312xi32, #tpu.memory_space<vmem>> -> memref<832xi32, #tpu.memory_space<vmem>>
    %dma_start3A_155 = arith.constant 0 : i32
    %dma_start3A_156 = tpu.memref_slice %arg3[%dma_start3A_155] : memref<2599936xf32, #tpu.memory_space<hbm>> -> memref<2599936xf32, #tpu.memory_space<hbm>>
    tpu.enqueue_indirect_dma source(%dma_start3A_156 : memref<2599936xf32, #tpu.memory_space<hbm>>) target(%dma_start3A_152 : memref<832xf32, #tpu.memory_space<vmem>>) offsets(%dma_start3A_154 : memref<832xi32, #tpu.memory_space<vmem>>) semaphore(%arg13 : memref<!tpu.dma_semaphore, #tpu.memory_space<semaphore_mem>>)
    %scan3A_157 = arith.constant 0 : i32
    %scan3A_158 = arith.constant 0 : i32
    %scan3A_159 = arith.constant 52 : i32
    %scan3A_160 = arith.addi %scan3A_158, %scan3A_159 : i32
    %scan3A_161 = arith.constant 1 : i32
    scf.for %scan3A_303 = %scan3A_158 to %scan3A_160 step %scan3A_161  : i32 {
      %add3A_304 = arith.constant 676 : i32
      %add3A_305 = arith.addi %add3A_304, %scan3A_303 : i32
      %shift_right_arithmetic3A = arith.constant 5 : i32
      %shift_right_arithmetic3A_306 = arith.shrsi %add3A_305, %shift_right_arithmetic3A : i32
      %and3A = arith.constant 31 : i32
      %and3A_307 = arith.andi %add3A_305, %and3A : i32
      %mul3A_308 = arith.constant 16 : i32
      %mul3A_309 = arith.muli %and3A_307, %mul3A_308 : i32
      %add3A_310 = vector.broadcast %mul3A_309 : i32 to vector<16xi32>
      %add3A_311 = arith.addi %add3A_310, %iota3A : vector<16xi32>
      %broadcast_in_dim3A = arith.constant 0 : i32
      %broadcast_in_dim3A_312 = vector.broadcast %broadcast_in_dim3A : i32 to vector<16xi32>
      %add3A_313 = vector.broadcast %shift_right_arithmetic3A_306 : i32 to vector<16xi32>
      %add3A_314 = arith.addi %add3A_313, %broadcast_in_dim3A_312 : vector<16xi32>
      %gather3A = tpu.vector_load_idx %arg7[%add3A_311, %add3A_314] : memref<512x26xi32, #tpu.memory_space<vmem>>[vector<16xi32>, vector<16xi32>], vector<16xi32>,
      %mul3A_315 = arith.constant 100000 : i32
      %mul3A_316 = arith.muli %shift_right_arithmetic3A_306, %mul3A_315 : i32
      %add3A_317 = vector.broadcast %mul3A_316 : i32 to vector<16xi32>
      %add3A_318 = arith.addi %gather3A, %add3A_317 : vector<16xi32>
      %min3A = arith.constant 2599935 : i32
      %min3A_319 = vector.broadcast %min3A : i32 to vector<16xi32>
      %min3A_320 = arith.minsi %add3A_318, %min3A_319 : vector<16xi32>
      %mul3A_321 = arith.constant 16 : i32
      %mul3A_322 = arith.muli %add3A_305, %mul3A_321 : i32
      %swap3A = arith.index_cast %mul3A_322 : i32 to index
      %swap3A_323 = tpu.vector_load %arg8[%swap3A] {strides = array<i32>} : memref<13312xi32, #tpu.memory_space<vmem>>, vector<16xi32>,
      tpu.vector_store %arg8[%swap3A], %min3A_320 {strides = array<i32>} : memref<13312xi32, #tpu.memory_space<vmem>>, vector<16xi32>,
    }
    %scan3A_162 = arith.constant 52 : i32
    %dma_start3A_163 = arith.constant 10816 : i32
    %dma_start3A_164 = tpu.memref_slice %arg9[%dma_start3A_163] : memref<13312xf32, #tpu.memory_space<vmem>> -> memref<832xf32, #tpu.memory_space<vmem>>
    %dma_start3A_165 = arith.constant 10816 : i32
    %dma_start3A_166 = tpu.memref_slice %arg8[%dma_start3A_165] : memref<13312xi32, #tpu.memory_space<vmem>> -> memref<832xi32, #tpu.memory_space<vmem>>
    %dma_start3A_167 = arith.constant 0 : i32
    %dma_start3A_168 = tpu.memref_slice %arg3[%dma_start3A_167] : memref<2599936xf32, #tpu.memory_space<hbm>> -> memref<2599936xf32, #tpu.memory_space<hbm>>
    tpu.enqueue_indirect_dma source(%dma_start3A_168 : memref<2599936xf32, #tpu.memory_space<hbm>>) target(%dma_start3A_164 : memref<832xf32, #tpu.memory_space<vmem>>) offsets(%dma_start3A_166 : memref<832xi32, #tpu.memory_space<vmem>>) semaphore(%arg13 : memref<!tpu.dma_semaphore, #tpu.memory_space<semaphore_mem>>)
    %scan3A_169 = arith.constant 0 : i32
    %scan3A_170 = arith.constant 0 : i32
    %scan3A_171 = arith.constant 52 : i32
    %scan3A_172 = arith.addi %scan3A_170, %scan3A_171 : i32
    %scan3A_173 = arith.constant 1 : i32
    scf.for %scan3A_303 = %scan3A_170 to %scan3A_172 step %scan3A_173  : i32 {
      %add3A_304 = arith.constant 728 : i32
      %add3A_305 = arith.addi %add3A_304, %scan3A_303 : i32
      %shift_right_arithmetic3A = arith.constant 5 : i32
      %shift_right_arithmetic3A_306 = arith.shrsi %add3A_305, %shift_right_arithmetic3A : i32
      %and3A = arith.constant 31 : i32
      %and3A_307 = arith.andi %add3A_305, %and3A : i32
      %mul3A_308 = arith.constant 16 : i32
      %mul3A_309 = arith.muli %and3A_307, %mul3A_308 : i32
      %add3A_310 = vector.broadcast %mul3A_309 : i32 to vector<16xi32>
      %add3A_311 = arith.addi %add3A_310, %iota3A : vector<16xi32>
      %broadcast_in_dim3A = arith.constant 0 : i32
      %broadcast_in_dim3A_312 = vector.broadcast %broadcast_in_dim3A : i32 to vector<16xi32>
      %add3A_313 = vector.broadcast %shift_right_arithmetic3A_306 : i32 to vector<16xi32>
      %add3A_314 = arith.addi %add3A_313, %broadcast_in_dim3A_312 : vector<16xi32>
      %gather3A = tpu.vector_load_idx %arg7[%add3A_311, %add3A_314] : memref<512x26xi32, #tpu.memory_space<vmem>>[vector<16xi32>, vector<16xi32>], vector<16xi32>,
      %mul3A_315 = arith.constant 100000 : i32
      %mul3A_316 = arith.muli %shift_right_arithmetic3A_306, %mul3A_315 : i32
      %add3A_317 = vector.broadcast %mul3A_316 : i32 to vector<16xi32>
      %add3A_318 = arith.addi %gather3A, %add3A_317 : vector<16xi32>
      %min3A = arith.constant 2599935 : i32
      %min3A_319 = vector.broadcast %min3A : i32 to vector<16xi32>
      %min3A_320 = arith.minsi %add3A_318, %min3A_319 : vector<16xi32>
      %mul3A_321 = arith.constant 16 : i32
      %mul3A_322 = arith.muli %add3A_305, %mul3A_321 : i32
      %swap3A = arith.index_cast %mul3A_322 : i32 to index
      %swap3A_323 = tpu.vector_load %arg8[%swap3A] {strides = array<i32>} : memref<13312xi32, #tpu.memory_space<vmem>>, vector<16xi32>,
      tpu.vector_store %arg8[%swap3A], %min3A_320 {strides = array<i32>} : memref<13312xi32, #tpu.memory_space<vmem>>, vector<16xi32>,
    }
    %scan3A_174 = arith.constant 52 : i32
    %dma_start3A_175 = arith.constant 11648 : i32
    %dma_start3A_176 = tpu.memref_slice %arg9[%dma_start3A_175] : memref<13312xf32, #tpu.memory_space<vmem>> -> memref<832xf32, #tpu.memory_space<vmem>>
    %dma_start3A_177 = arith.constant 11648 : i32
    %dma_start3A_178 = tpu.memref_slice %arg8[%dma_start3A_177] : memref<13312xi32, #tpu.memory_space<vmem>> -> memref<832xi32, #tpu.memory_space<vmem>>
    %dma_start3A_179 = arith.constant 0 : i32
    %dma_start3A_180 = tpu.memref_slice %arg3[%dma_start3A_179] : memref<2599936xf32, #tpu.memory_space<hbm>> -> memref<2599936xf32, #tpu.memory_space<hbm>>
    tpu.enqueue_indirect_dma source(%dma_start3A_180 : memref<2599936xf32, #tpu.memory_space<hbm>>) target(%dma_start3A_176 : memref<832xf32, #tpu.memory_space<vmem>>) offsets(%dma_start3A_178 : memref<832xi32, #tpu.memory_space<vmem>>) semaphore(%arg13 : memref<!tpu.dma_semaphore, #tpu.memory_space<semaphore_mem>>)
    %scan3A_181 = arith.constant 0 : i32
    %scan3A_182 = arith.constant 0 : i32
    %scan3A_183 = arith.constant 52 : i32
    %scan3A_184 = arith.addi %scan3A_182, %scan3A_183 : i32
    %scan3A_185 = arith.constant 1 : i32
    scf.for %scan3A_303 = %scan3A_182 to %scan3A_184 step %scan3A_185  : i32 {
      %add3A_304 = arith.constant 780 : i32
      %add3A_305 = arith.addi %add3A_304, %scan3A_303 : i32
      %shift_right_arithmetic3A = arith.constant 5 : i32
      %shift_right_arithmetic3A_306 = arith.shrsi %add3A_305, %shift_right_arithmetic3A : i32
      %and3A = arith.constant 31 : i32
      %and3A_307 = arith.andi %add3A_305, %and3A : i32
      %mul3A_308 = arith.constant 16 : i32
      %mul3A_309 = arith.muli %and3A_307, %mul3A_308 : i32
      %add3A_310 = vector.broadcast %mul3A_309 : i32 to vector<16xi32>
      %add3A_311 = arith.addi %add3A_310, %iota3A : vector<16xi32>
      %broadcast_in_dim3A = arith.constant 0 : i32
      %broadcast_in_dim3A_312 = vector.broadcast %broadcast_in_dim3A : i32 to vector<16xi32>
      %add3A_313 = vector.broadcast %shift_right_arithmetic3A_306 : i32 to vector<16xi32>
      %add3A_314 = arith.addi %add3A_313, %broadcast_in_dim3A_312 : vector<16xi32>
      %gather3A = tpu.vector_load_idx %arg7[%add3A_311, %add3A_314] : memref<512x26xi32, #tpu.memory_space<vmem>>[vector<16xi32>, vector<16xi32>], vector<16xi32>,
      %mul3A_315 = arith.constant 100000 : i32
      %mul3A_316 = arith.muli %shift_right_arithmetic3A_306, %mul3A_315 : i32
      %add3A_317 = vector.broadcast %mul3A_316 : i32 to vector<16xi32>
      %add3A_318 = arith.addi %gather3A, %add3A_317 : vector<16xi32>
      %min3A = arith.constant 2599935 : i32
      %min3A_319 = vector.broadcast %min3A : i32 to vector<16xi32>
      %min3A_320 = arith.minsi %add3A_318, %min3A_319 : vector<16xi32>
      %mul3A_321 = arith.constant 16 : i32
      %mul3A_322 = arith.muli %add3A_305, %mul3A_321 : i32
      %swap3A = arith.index_cast %mul3A_322 : i32 to index
      %swap3A_323 = tpu.vector_load %arg8[%swap3A] {strides = array<i32>} : memref<13312xi32, #tpu.memory_space<vmem>>, vector<16xi32>,
      tpu.vector_store %arg8[%swap3A], %min3A_320 {strides = array<i32>} : memref<13312xi32, #tpu.memory_space<vmem>>, vector<16xi32>,
    }
    %scan3A_186 = arith.constant 52 : i32
    %dma_start3A_187 = arith.constant 12480 : i32
    %dma_start3A_188 = tpu.memref_slice %arg9[%dma_start3A_187] : memref<13312xf32, #tpu.memory_space<vmem>> -> memref<832xf32, #tpu.memory_space<vmem>>
    %dma_start3A_189 = arith.constant 12480 : i32
    %dma_start3A_190 = tpu.memref_slice %arg8[%dma_start3A_189] : memref<13312xi32, #tpu.memory_space<vmem>> -> memref<832xi32, #tpu.memory_space<vmem>>
    %dma_start3A_191 = arith.constant 0 : i32
    %dma_start3A_192 = tpu.memref_slice %arg3[%dma_start3A_191] : memref<2599936xf32, #tpu.memory_space<hbm>> -> memref<2599936xf32, #tpu.memory_space<hbm>>
    tpu.enqueue_indirect_dma source(%dma_start3A_192 : memref<2599936xf32, #tpu.memory_space<hbm>>) target(%dma_start3A_188 : memref<832xf32, #tpu.memory_space<vmem>>) offsets(%dma_start3A_190 : memref<832xi32, #tpu.memory_space<vmem>>) semaphore(%arg13 : memref<!tpu.dma_semaphore, #tpu.memory_space<semaphore_mem>>)
    %dma_wait3A = arith.constant 0 : i32
    %dma_wait3A_193 = tpu.memref_slice %arg9[%dma_wait3A] : memref<13312xf32, #tpu.memory_space<vmem>> -> memref<832xf32, #tpu.memory_space<vmem>>
    %dma_wait3A_194 = arith.constant 0 : i32
    %dma_wait3A_195 = tpu.memref_slice %arg8[%dma_wait3A_194] : memref<13312xi32, #tpu.memory_space<vmem>> -> memref<832xi32, #tpu.memory_space<vmem>>
    %dma_wait3A_196 = arith.constant 0 : i32
    %dma_wait3A_197 = tpu.memref_slice %arg3[%dma_wait3A_196] : memref<2599936xf32, #tpu.memory_space<hbm>> -> memref<2599936xf32, #tpu.memory_space<hbm>>
    tpu.wait_indirect_dma semaphore(%arg13 : memref<!tpu.dma_semaphore, #tpu.memory_space<semaphore_mem>>) src(%dma_wait3A_197 : memref<2599936xf32, #tpu.memory_space<hbm>>) dst(%dma_wait3A_193 : memref<832xf32, #tpu.memory_space<vmem>>)
    %dma_wait3A_198 = arith.constant 832 : i32
    %dma_wait3A_199 = tpu.memref_slice %arg9[%dma_wait3A_198] : memref<13312xf32, #tpu.memory_space<vmem>> -> memref<832xf32, #tpu.memory_space<vmem>>
    %dma_wait3A_200 = arith.constant 832 : i32
    %dma_wait3A_201 = tpu.memref_slice %arg8[%dma_wait3A_200] : memref<13312xi32, #tpu.memory_space<vmem>> -> memref<832xi32, #tpu.memory_space<vmem>>
    %dma_wait3A_202 = arith.constant 0 : i32
    %dma_wait3A_203 = tpu.memref_slice %arg3[%dma_wait3A_202] : memref<2599936xf32, #tpu.memory_space<hbm>> -> memref<2599936xf32, #tpu.memory_space<hbm>>
    tpu.wait_indirect_dma semaphore(%arg13 : memref<!tpu.dma_semaphore, #tpu.memory_space<semaphore_mem>>) src(%dma_wait3A_203 : memref<2599936xf32, #tpu.memory_space<hbm>>) dst(%dma_wait3A_199 : memref<832xf32, #tpu.memory_space<vmem>>)
    %dma_wait3A_204 = arith.constant 1664 : i32
    %dma_wait3A_205 = tpu.memref_slice %arg9[%dma_wait3A_204] : memref<13312xf32, #tpu.memory_space<vmem>> -> memref<832xf32, #tpu.memory_space<vmem>>
    %dma_wait3A_206 = arith.constant 1664 : i32
    %dma_wait3A_207 = tpu.memref_slice %arg8[%dma_wait3A_206] : memref<13312xi32, #tpu.memory_space<vmem>> -> memref<832xi32, #tpu.memory_space<vmem>>
    %dma_wait3A_208 = arith.constant 0 : i32
    %dma_wait3A_209 = tpu.memref_slice %arg3[%dma_wait3A_208] : memref<2599936xf32, #tpu.memory_space<hbm>> -> memref<2599936xf32, #tpu.memory_space<hbm>>
    tpu.wait_indirect_dma semaphore(%arg13 : memref<!tpu.dma_semaphore, #tpu.memory_space<semaphore_mem>>) src(%dma_wait3A_209 : memref<2599936xf32, #tpu.memory_space<hbm>>) dst(%dma_wait3A_205 : memref<832xf32, #tpu.memory_space<vmem>>)
    %dma_wait3A_210 = arith.constant 2496 : i32
    %dma_wait3A_211 = tpu.memref_slice %arg9[%dma_wait3A_210] : memref<13312xf32, #tpu.memory_space<vmem>> -> memref<832xf32, #tpu.memory_space<vmem>>
    %dma_wait3A_212 = arith.constant 2496 : i32
    %dma_wait3A_213 = tpu.memref_slice %arg8[%dma_wait3A_212] : memref<13312xi32, #tpu.memory_space<vmem>> -> memref<832xi32, #tpu.memory_space<vmem>>
    %dma_wait3A_214 = arith.constant 0 : i32
    %dma_wait3A_215 = tpu.memref_slice %arg3[%dma_wait3A_214] : memref<2599936xf32, #tpu.memory_space<hbm>> -> memref<2599936xf32, #tpu.memory_space<hbm>>
    tpu.wait_indirect_dma semaphore(%arg13 : memref<!tpu.dma_semaphore, #tpu.memory_space<semaphore_mem>>) src(%dma_wait3A_215 : memref<2599936xf32, #tpu.memory_space<hbm>>) dst(%dma_wait3A_211 : memref<832xf32, #tpu.memory_space<vmem>>)
    %dma_wait3A_216 = arith.constant 3328 : i32
    %dma_wait3A_217 = tpu.memref_slice %arg9[%dma_wait3A_216] : memref<13312xf32, #tpu.memory_space<vmem>> -> memref<832xf32, #tpu.memory_space<vmem>>
    %dma_wait3A_218 = arith.constant 3328 : i32
    %dma_wait3A_219 = tpu.memref_slice %arg8[%dma_wait3A_218] : memref<13312xi32, #tpu.memory_space<vmem>> -> memref<832xi32, #tpu.memory_space<vmem>>
    %dma_wait3A_220 = arith.constant 0 : i32
    %dma_wait3A_221 = tpu.memref_slice %arg3[%dma_wait3A_220] : memref<2599936xf32, #tpu.memory_space<hbm>> -> memref<2599936xf32, #tpu.memory_space<hbm>>
    tpu.wait_indirect_dma semaphore(%arg13 : memref<!tpu.dma_semaphore, #tpu.memory_space<semaphore_mem>>) src(%dma_wait3A_221 : memref<2599936xf32, #tpu.memory_space<hbm>>) dst(%dma_wait3A_217 : memref<832xf32, #tpu.memory_space<vmem>>)
    %dma_wait3A_222 = arith.constant 4160 : i32
    %dma_wait3A_223 = tpu.memref_slice %arg9[%dma_wait3A_222] : memref<13312xf32, #tpu.memory_space<vmem>> -> memref<832xf32, #tpu.memory_space<vmem>>
    %dma_wait3A_224 = arith.constant 4160 : i32
    %dma_wait3A_225 = tpu.memref_slice %arg8[%dma_wait3A_224] : memref<13312xi32, #tpu.memory_space<vmem>> -> memref<832xi32, #tpu.memory_space<vmem>>
    %dma_wait3A_226 = arith.constant 0 : i32
    %dma_wait3A_227 = tpu.memref_slice %arg3[%dma_wait3A_226] : memref<2599936xf32, #tpu.memory_space<hbm>> -> memref<2599936xf32, #tpu.memory_space<hbm>>
    tpu.wait_indirect_dma semaphore(%arg13 : memref<!tpu.dma_semaphore, #tpu.memory_space<semaphore_mem>>) src(%dma_wait3A_227 : memref<2599936xf32, #tpu.memory_space<hbm>>) dst(%dma_wait3A_223 : memref<832xf32, #tpu.memory_space<vmem>>)
    %dma_wait3A_228 = arith.constant 4992 : i32
    %dma_wait3A_229 = tpu.memref_slice %arg9[%dma_wait3A_228] : memref<13312xf32, #tpu.memory_space<vmem>> -> memref<832xf32, #tpu.memory_space<vmem>>
    %dma_wait3A_230 = arith.constant 4992 : i32
    %dma_wait3A_231 = tpu.memref_slice %arg8[%dma_wait3A_230] : memref<13312xi32, #tpu.memory_space<vmem>> -> memref<832xi32, #tpu.memory_space<vmem>>
    %dma_wait3A_232 = arith.constant 0 : i32
    %dma_wait3A_233 = tpu.memref_slice %arg3[%dma_wait3A_232] : memref<2599936xf32, #tpu.memory_space<hbm>> -> memref<2599936xf32, #tpu.memory_space<hbm>>
    tpu.wait_indirect_dma semaphore(%arg13 : memref<!tpu.dma_semaphore, #tpu.memory_space<semaphore_mem>>) src(%dma_wait3A_233 : memref<2599936xf32, #tpu.memory_space<hbm>>) dst(%dma_wait3A_229 : memref<832xf32, #tpu.memory_space<vmem>>)
    %dma_wait3A_234 = arith.constant 5824 : i32
    %dma_wait3A_235 = tpu.memref_slice %arg9[%dma_wait3A_234] : memref<13312xf32, #tpu.memory_space<vmem>> -> memref<832xf32, #tpu.memory_space<vmem>>
    %dma_wait3A_236 = arith.constant 5824 : i32
    %dma_wait3A_237 = tpu.memref_slice %arg8[%dma_wait3A_236] : memref<13312xi32, #tpu.memory_space<vmem>> -> memref<832xi32, #tpu.memory_space<vmem>>
    %dma_wait3A_238 = arith.constant 0 : i32
    %dma_wait3A_239 = tpu.memref_slice %arg3[%dma_wait3A_238] : memref<2599936xf32, #tpu.memory_space<hbm>> -> memref<2599936xf32, #tpu.memory_space<hbm>>
    tpu.wait_indirect_dma semaphore(%arg13 : memref<!tpu.dma_semaphore, #tpu.memory_space<semaphore_mem>>) src(%dma_wait3A_239 : memref<2599936xf32, #tpu.memory_space<hbm>>) dst(%dma_wait3A_235 : memref<832xf32, #tpu.memory_space<vmem>>)
    %dma_wait3A_240 = arith.constant 6656 : i32
    %dma_wait3A_241 = tpu.memref_slice %arg9[%dma_wait3A_240] : memref<13312xf32, #tpu.memory_space<vmem>> -> memref<832xf32, #tpu.memory_space<vmem>>
    %dma_wait3A_242 = arith.constant 6656 : i32
    %dma_wait3A_243 = tpu.memref_slice %arg8[%dma_wait3A_242] : memref<13312xi32, #tpu.memory_space<vmem>> -> memref<832xi32, #tpu.memory_space<vmem>>
    %dma_wait3A_244 = arith.constant 0 : i32
    %dma_wait3A_245 = tpu.memref_slice %arg3[%dma_wait3A_244] : memref<2599936xf32, #tpu.memory_space<hbm>> -> memref<2599936xf32, #tpu.memory_space<hbm>>
    tpu.wait_indirect_dma semaphore(%arg13 : memref<!tpu.dma_semaphore, #tpu.memory_space<semaphore_mem>>) src(%dma_wait3A_245 : memref<2599936xf32, #tpu.memory_space<hbm>>) dst(%dma_wait3A_241 : memref<832xf32, #tpu.memory_space<vmem>>)
    %dma_wait3A_246 = arith.constant 7488 : i32
    %dma_wait3A_247 = tpu.memref_slice %arg9[%dma_wait3A_246] : memref<13312xf32, #tpu.memory_space<vmem>> -> memref<832xf32, #tpu.memory_space<vmem>>
    %dma_wait3A_248 = arith.constant 7488 : i32
    %dma_wait3A_249 = tpu.memref_slice %arg8[%dma_wait3A_248] : memref<13312xi32, #tpu.memory_space<vmem>> -> memref<832xi32, #tpu.memory_space<vmem>>
    %dma_wait3A_250 = arith.constant 0 : i32
    %dma_wait3A_251 = tpu.memref_slice %arg3[%dma_wait3A_250] : memref<2599936xf32, #tpu.memory_space<hbm>> -> memref<2599936xf32, #tpu.memory_space<hbm>>
    tpu.wait_indirect_dma semaphore(%arg13 : memref<!tpu.dma_semaphore, #tpu.memory_space<semaphore_mem>>) src(%dma_wait3A_251 : memref<2599936xf32, #tpu.memory_space<hbm>>) dst(%dma_wait3A_247 : memref<832xf32, #tpu.memory_space<vmem>>)
    %dma_wait3A_252 = arith.constant 8320 : i32
    %dma_wait3A_253 = tpu.memref_slice %arg9[%dma_wait3A_252] : memref<13312xf32, #tpu.memory_space<vmem>> -> memref<832xf32, #tpu.memory_space<vmem>>
    %dma_wait3A_254 = arith.constant 8320 : i32
    %dma_wait3A_255 = tpu.memref_slice %arg8[%dma_wait3A_254] : memref<13312xi32, #tpu.memory_space<vmem>> -> memref<832xi32, #tpu.memory_space<vmem>>
    %dma_wait3A_256 = arith.constant 0 : i32
    %dma_wait3A_257 = tpu.memref_slice %arg3[%dma_wait3A_256] : memref<2599936xf32, #tpu.memory_space<hbm>> -> memref<2599936xf32, #tpu.memory_space<hbm>>
    tpu.wait_indirect_dma semaphore(%arg13 : memref<!tpu.dma_semaphore, #tpu.memory_space<semaphore_mem>>) src(%dma_wait3A_257 : memref<2599936xf32, #tpu.memory_space<hbm>>) dst(%dma_wait3A_253 : memref<832xf32, #tpu.memory_space<vmem>>)
    %dma_wait3A_258 = arith.constant 9152 : i32
    %dma_wait3A_259 = tpu.memref_slice %arg9[%dma_wait3A_258] : memref<13312xf32, #tpu.memory_space<vmem>> -> memref<832xf32, #tpu.memory_space<vmem>>
    %dma_wait3A_260 = arith.constant 9152 : i32
    %dma_wait3A_261 = tpu.memref_slice %arg8[%dma_wait3A_260] : memref<13312xi32, #tpu.memory_space<vmem>> -> memref<832xi32, #tpu.memory_space<vmem>>
    %dma_wait3A_262 = arith.constant 0 : i32
    %dma_wait3A_263 = tpu.memref_slice %arg3[%dma_wait3A_262] : memref<2599936xf32, #tpu.memory_space<hbm>> -> memref<2599936xf32, #tpu.memory_space<hbm>>
    tpu.wait_indirect_dma semaphore(%arg13 : memref<!tpu.dma_semaphore, #tpu.memory_space<semaphore_mem>>) src(%dma_wait3A_263 : memref<2599936xf32, #tpu.memory_space<hbm>>) dst(%dma_wait3A_259 : memref<832xf32, #tpu.memory_space<vmem>>)
    %dma_wait3A_264 = arith.constant 9984 : i32
    %dma_wait3A_265 = tpu.memref_slice %arg9[%dma_wait3A_264] : memref<13312xf32, #tpu.memory_space<vmem>> -> memref<832xf32, #tpu.memory_space<vmem>>
    %dma_wait3A_266 = arith.constant 9984 : i32
    %dma_wait3A_267 = tpu.memref_slice %arg8[%dma_wait3A_266] : memref<13312xi32, #tpu.memory_space<vmem>> -> memref<832xi32, #tpu.memory_space<vmem>>
    %dma_wait3A_268 = arith.constant 0 : i32
    %dma_wait3A_269 = tpu.memref_slice %arg3[%dma_wait3A_268] : memref<2599936xf32, #tpu.memory_space<hbm>> -> memref<2599936xf32, #tpu.memory_space<hbm>>
    tpu.wait_indirect_dma semaphore(%arg13 : memref<!tpu.dma_semaphore, #tpu.memory_space<semaphore_mem>>) src(%dma_wait3A_269 : memref<2599936xf32, #tpu.memory_space<hbm>>) dst(%dma_wait3A_265 : memref<832xf32, #tpu.memory_space<vmem>>)
    %dma_wait3A_270 = arith.constant 10816 : i32
    %dma_wait3A_271 = tpu.memref_slice %arg9[%dma_wait3A_270] : memref<13312xf32, #tpu.memory_space<vmem>> -> memref<832xf32, #tpu.memory_space<vmem>>
    %dma_wait3A_272 = arith.constant 10816 : i32
    %dma_wait3A_273 = tpu.memref_slice %arg8[%dma_wait3A_272] : memref<13312xi32, #tpu.memory_space<vmem>> -> memref<832xi32, #tpu.memory_space<vmem>>
    %dma_wait3A_274 = arith.constant 0 : i32
    %dma_wait3A_275 = tpu.memref_slice %arg3[%dma_wait3A_274] : memref<2599936xf32, #tpu.memory_space<hbm>> -> memref<2599936xf32, #tpu.memory_space<hbm>>
    tpu.wait_indirect_dma semaphore(%arg13 : memref<!tpu.dma_semaphore, #tpu.memory_space<semaphore_mem>>) src(%dma_wait3A_275 : memref<2599936xf32, #tpu.memory_space<hbm>>) dst(%dma_wait3A_271 : memref<832xf32, #tpu.memory_space<vmem>>)
    %dma_wait3A_276 = arith.constant 11648 : i32
    %dma_wait3A_277 = tpu.memref_slice %arg9[%dma_wait3A_276] : memref<13312xf32, #tpu.memory_space<vmem>> -> memref<832xf32, #tpu.memory_space<vmem>>
    %dma_wait3A_278 = arith.constant 11648 : i32
    %dma_wait3A_279 = tpu.memref_slice %arg8[%dma_wait3A_278] : memref<13312xi32, #tpu.memory_space<vmem>> -> memref<832xi32, #tpu.memory_space<vmem>>
    %dma_wait3A_280 = arith.constant 0 : i32
    %dma_wait3A_281 = tpu.memref_slice %arg3[%dma_wait3A_280] : memref<2599936xf32, #tpu.memory_space<hbm>> -> memref<2599936xf32, #tpu.memory_space<hbm>>
    tpu.wait_indirect_dma semaphore(%arg13 : memref<!tpu.dma_semaphore, #tpu.memory_space<semaphore_mem>>) src(%dma_wait3A_281 : memref<2599936xf32, #tpu.memory_space<hbm>>) dst(%dma_wait3A_277 : memref<832xf32, #tpu.memory_space<vmem>>)
    %dma_wait3A_282 = arith.constant 12480 : i32
    %dma_wait3A_283 = tpu.memref_slice %arg9[%dma_wait3A_282] : memref<13312xf32, #tpu.memory_space<vmem>> -> memref<832xf32, #tpu.memory_space<vmem>>
    %dma_wait3A_284 = arith.constant 12480 : i32
    %dma_wait3A_285 = tpu.memref_slice %arg8[%dma_wait3A_284] : memref<13312xi32, #tpu.memory_space<vmem>> -> memref<832xi32, #tpu.memory_space<vmem>>
    %dma_wait3A_286 = arith.constant 0 : i32
    %dma_wait3A_287 = tpu.memref_slice %arg3[%dma_wait3A_286] : memref<2599936xf32, #tpu.memory_space<hbm>> -> memref<2599936xf32, #tpu.memory_space<hbm>>
    tpu.wait_indirect_dma semaphore(%arg13 : memref<!tpu.dma_semaphore, #tpu.memory_space<semaphore_mem>>) src(%dma_wait3A_287 : memref<2599936xf32, #tpu.memory_space<hbm>>) dst(%dma_wait3A_283 : memref<832xf32, #tpu.memory_space<vmem>>)
    %scan3A_288 = arith.constant 0 : i32
    %scan3A_289 = arith.constant 0 : i32
    %scan3A_290 = arith.constant 32 : i32
    %scan3A_291 = arith.addi %scan3A_289, %scan3A_290 : i32
    %scan3A_292 = arith.constant 1 : i32
    scf.for %scan3A_303 = %scan3A_289 to %scan3A_291 step %scan3A_292  : i32 {
      %mul3A_304 = arith.constant 16 : i32
      %mul3A_305 = arith.muli %scan3A_303, %mul3A_304 : i32
      %add3A_306 = vector.broadcast %mul3A_305 : i32 to vector<16xi32>
      %add3A_307 = arith.addi %add3A_306, %iota3A : vector<16xi32>
      %broadcast_in_dim3A = arith.constant 0 : i32
      %broadcast_in_dim3A_308 = vector.broadcast %broadcast_in_dim3A : i32 to vector<16xi32>
      %add3A_309 = arith.constant 25 : i32
      %add3A_310 = vector.broadcast %add3A_309 : i32 to vector<16xi32>
      %add3A_311 = arith.addi %add3A_310, %broadcast_in_dim3A_308 : vector<16xi32>
      %gather3A = tpu.vector_load_idx %arg7[%add3A_307, %add3A_311] : memref<512x26xi32, #tpu.memory_space<vmem>>[vector<16xi32>, vector<16xi32>], vector<16xi32>,
      %add3A_312 = arith.constant 2500000 : i32
      %add3A_313 = vector.broadcast %add3A_312 : i32 to vector<16xi32>
      %add3A_314 = arith.addi %gather3A, %add3A_313 : vector<16xi32>
      %ge3A = arith.constant 2599936 : i32
      %ge3A_315 = vector.broadcast %ge3A : i32 to vector<16xi32>
      %ge3A_316 = arith.cmpi sge, %add3A_314, %ge3A_315 : vector<16xi32>
      %sub3A = arith.constant 2599936 : i32
      %sub3A_317 = vector.broadcast %sub3A : i32 to vector<16xi32>
      %sub3A_318 = arith.subi %add3A_314, %sub3A_317 : vector<16xi32>
      %jit3A = arith.constant 0 : i32
      %jit3A_319 = arith.constant 63 : i32
      %max3A = vector.broadcast %jit3A : i32 to vector<16xi32>
      %max3A_320 = arith.maxsi %max3A, %sub3A_318 : vector<16xi32>
      %min3A = vector.broadcast %jit3A_319 : i32 to vector<16xi32>
      %min3A_321 = arith.minsi %min3A, %max3A_320 : vector<16xi32>
      %gather3A_322 = tpu.vector_load_idx %arg11[%min3A_321] : memref<64xf32, #tpu.memory_space<vmem>>[vector<16xi32>], vector<16xf32>,
      %add3A_323 = arith.constant 12800 : i32
      %add3A_324 = arith.addi %add3A_323, %mul3A_305 : i32
      %get3A_325 = arith.index_cast %add3A_324 : i32 to index
      %get3A_326 = tpu.vector_load %arg9[%get3A_325] {strides = array<i32>} : memref<13312xf32, #tpu.memory_space<vmem>>, vector<16xf32>,
      %select_n3A = arith.select %ge3A_316, %gather3A_322, %get3A_326 : vector<16xi1>, vector<16xf32>
      %swap3A = arith.index_cast %add3A_324 : i32 to index
      %swap3A_327 = tpu.vector_load %arg9[%swap3A] {strides = array<i32>} : memref<13312xf32, #tpu.memory_space<vmem>>, vector<16xf32>,
      tpu.vector_store %arg9[%swap3A], %select_n3A {strides = array<i32>} : memref<13312xf32, #tpu.memory_space<vmem>>, vector<16xf32>,
    }
    %scan3A_293 = arith.constant 32 : i32
    %get3A = arith.constant 0 : index
    %get3A_294 = tpu.vector_load %arg12[%get3A] {strides = array<i32>} : memref<16xf32, #tpu.memory_space<vmem>>, vector<16xf32>,
    %scan3A_295 = arith.constant 0 : i32
    %scan3A_296 = arith.constant 0 : i32
    %scan3A_297 = arith.constant 32 : i32
    %scan3A_298 = arith.addi %scan3A_296, %scan3A_297 : i32
    %scan3A_299 = arith.constant 1 : i32
    scf.for %scan3A_303 = %scan3A_296 to %scan3A_298 step %scan3A_299  : i32 {
      %mul3A_304 = arith.constant 16 : i32
      %mul3A_305 = arith.muli %scan3A_303, %mul3A_304 : i32
      %get3A_306 = arith.index_cast %mul3A_305 : i32 to index
      %get3A_307 = tpu.vector_load %arg9[%get3A_306] {strides = array<i32>} : memref<13312xf32, #tpu.memory_space<vmem>>, vector<16xf32>,
      %add3A_308 = arith.constant 512 : i32
      %add3A_309 = arith.addi %add3A_308, %mul3A_305 : i32
      %get3A_310 = arith.index_cast %add3A_309 : i32 to index
      %get3A_311 = tpu.vector_load %arg9[%get3A_310] {strides = array<i32>} : memref<13312xf32, #tpu.memory_space<vmem>>, vector<16xf32>,
      %add3A_312 = arith.addf %get3A_307, %get3A_311 : vector<16xf32>
      %add3A_313 = arith.constant 1024 : i32
      %add3A_314 = arith.addi %add3A_313, %mul3A_305 : i32
      %get3A_315 = arith.index_cast %add3A_314 : i32 to index
      %get3A_316 = tpu.vector_load %arg9[%get3A_315] {strides = array<i32>} : memref<13312xf32, #tpu.memory_space<vmem>>, vector<16xf32>,
      %add3A_317 = arith.addf %add3A_312, %get3A_316 : vector<16xf32>
      %add3A_318 = arith.constant 1536 : i32
      %add3A_319 = arith.addi %add3A_318, %mul3A_305 : i32
      %get3A_320 = arith.index_cast %add3A_319 : i32 to index
      %get3A_321 = tpu.vector_load %arg9[%get3A_320] {strides = array<i32>} : memref<13312xf32, #tpu.memory_space<vmem>>, vector<16xf32>,
      %add3A_322 = arith.addf %add3A_317, %get3A_321 : vector<16xf32>
      %add3A_323 = arith.constant 2048 : i32
      %add3A_324 = arith.addi %add3A_323, %mul3A_305 : i32
      %get3A_325 = arith.index_cast %add3A_324 : i32 to index
      %get3A_326 = tpu.vector_load %arg9[%get3A_325] {strides = array<i32>} : memref<13312xf32, #tpu.memory_space<vmem>>, vector<16xf32>,
      %add3A_327 = arith.addf %add3A_322, %get3A_326 : vector<16xf32>
      %add3A_328 = arith.constant 2560 : i32
      %add3A_329 = arith.addi %add3A_328, %mul3A_305 : i32
      %get3A_330 = arith.index_cast %add3A_329 : i32 to index
      %get3A_331 = tpu.vector_load %arg9[%get3A_330] {strides = array<i32>} : memref<13312xf32, #tpu.memory_space<vmem>>, vector<16xf32>,
      %add3A_332 = arith.addf %add3A_327, %get3A_331 : vector<16xf32>
      %add3A_333 = arith.constant 3072 : i32
      %add3A_334 = arith.addi %add3A_333, %mul3A_305 : i32
      %get3A_335 = arith.index_cast %add3A_334 : i32 to index
      %get3A_336 = tpu.vector_load %arg9[%get3A_335] {strides = array<i32>} : memref<13312xf32, #tpu.memory_space<vmem>>, vector<16xf32>,
      %add3A_337 = arith.addf %add3A_332, %get3A_336 : vector<16xf32>
      %add3A_338 = arith.constant 3584 : i32
      %add3A_339 = arith.addi %add3A_338, %mul3A_305 : i32
      %get3A_340 = arith.index_cast %add3A_339 : i32 to index
      %get3A_341 = tpu.vector_load %arg9[%get3A_340] {strides = array<i32>} : memref<13312xf32, #tpu.memory_space<vmem>>, vector<16xf32>,
      %add3A_342 = arith.addf %add3A_337, %get3A_341 : vector<16xf32>
      %add3A_343 = arith.constant 4096 : i32
      %add3A_344 = arith.addi %add3A_343, %mul3A_305 : i32
      %get3A_345 = arith.index_cast %add3A_344 : i32 to index
      %get3A_346 = tpu.vector_load %arg9[%get3A_345] {strides = array<i32>} : memref<13312xf32, #tpu.memory_space<vmem>>, vector<16xf32>,
      %add3A_347 = arith.addf %add3A_342, %get3A_346 : vector<16xf32>
      %add3A_348 = arith.constant 4608 : i32
      %add3A_349 = arith.addi %add3A_348, %mul3A_305 : i32
      %get3A_350 = arith.index_cast %add3A_349 : i32 to index
      %get3A_351 = tpu.vector_load %arg9[%get3A_350] {strides = array<i32>} : memref<13312xf32, #tpu.memory_space<vmem>>, vector<16xf32>,
      %add3A_352 = arith.addf %add3A_347, %get3A_351 : vector<16xf32>
      %add3A_353 = arith.constant 5120 : i32
      %add3A_354 = arith.addi %add3A_353, %mul3A_305 : i32
      %get3A_355 = arith.index_cast %add3A_354 : i32 to index
      %get3A_356 = tpu.vector_load %arg9[%get3A_355] {strides = array<i32>} : memref<13312xf32, #tpu.memory_space<vmem>>, vector<16xf32>,
      %add3A_357 = arith.addf %add3A_352, %get3A_356 : vector<16xf32>
      %add3A_358 = arith.constant 5632 : i32
      %add3A_359 = arith.addi %add3A_358, %mul3A_305 : i32
      %get3A_360 = arith.index_cast %add3A_359 : i32 to index
      %get3A_361 = tpu.vector_load %arg9[%get3A_360] {strides = array<i32>} : memref<13312xf32, #tpu.memory_space<vmem>>, vector<16xf32>,
      %add3A_362 = arith.addf %add3A_357, %get3A_361 : vector<16xf32>
      %add3A_363 = arith.constant 6144 : i32
      %add3A_364 = arith.addi %add3A_363, %mul3A_305 : i32
      %get3A_365 = arith.index_cast %add3A_364 : i32 to index
      %get3A_366 = tpu.vector_load %arg9[%get3A_365] {strides = array<i32>} : memref<13312xf32, #tpu.memory_space<vmem>>, vector<16xf32>,
      %add3A_367 = arith.addf %add3A_362, %get3A_366 : vector<16xf32>
      %add3A_368 = arith.constant 6656 : i32
      %add3A_369 = arith.addi %add3A_368, %mul3A_305 : i32
      %get3A_370 = arith.index_cast %add3A_369 : i32 to index
      %get3A_371 = tpu.vector_load %arg9[%get3A_370] {strides = array<i32>} : memref<13312xf32, #tpu.memory_space<vmem>>, vector<16xf32>,
      %add3A_372 = arith.addf %add3A_367, %get3A_371 : vector<16xf32>
      %add3A_373 = arith.constant 7168 : i32
      %add3A_374 = arith.addi %add3A_373, %mul3A_305 : i32
      %get3A_375 = arith.index_cast %add3A_374 : i32 to index
      %get3A_376 = tpu.vector_load %arg9[%get3A_375] {strides = array<i32>} : memref<13312xf32, #tpu.memory_space<vmem>>, vector<16xf32>,
      %add3A_377 = arith.addf %add3A_372, %get3A_376 : vector<16xf32>
      %add3A_378 = arith.constant 7680 : i32
      %add3A_379 = arith.addi %add3A_378, %mul3A_305 : i32
      %get3A_380 = arith.index_cast %add3A_379 : i32 to index
      %get3A_381 = tpu.vector_load %arg9[%get3A_380] {strides = array<i32>} : memref<13312xf32, #tpu.memory_space<vmem>>, vector<16xf32>,
      %add3A_382 = arith.addf %add3A_377, %get3A_381 : vector<16xf32>
      %add3A_383 = arith.constant 8192 : i32
      %add3A_384 = arith.addi %add3A_383, %mul3A_305 : i32
      %get3A_385 = arith.index_cast %add3A_384 : i32 to index
      %get3A_386 = tpu.vector_load %arg9[%get3A_385] {strides = array<i32>} : memref<13312xf32, #tpu.memory_space<vmem>>, vector<16xf32>,
      %add3A_387 = arith.addf %add3A_382, %get3A_386 : vector<16xf32>
      %add3A_388 = arith.constant 8704 : i32
      %add3A_389 = arith.addi %add3A_388, %mul3A_305 : i32
      %get3A_390 = arith.index_cast %add3A_389 : i32 to index
      %get3A_391 = tpu.vector_load %arg9[%get3A_390] {strides = array<i32>} : memref<13312xf32, #tpu.memory_space<vmem>>, vector<16xf32>,
      %add3A_392 = arith.addf %add3A_387, %get3A_391 : vector<16xf32>
      %add3A_393 = arith.constant 9216 : i32
      %add3A_394 = arith.addi %add3A_393, %mul3A_305 : i32
      %get3A_395 = arith.index_cast %add3A_394 : i32 to index
      %get3A_396 = tpu.vector_load %arg9[%get3A_395] {strides = array<i32>} : memref<13312xf32, #tpu.memory_space<vmem>>, vector<16xf32>,
      %add3A_397 = arith.addf %add3A_392, %get3A_396 : vector<16xf32>
      %add3A_398 = arith.constant 9728 : i32
      %add3A_399 = arith.addi %add3A_398, %mul3A_305 : i32
      %get3A_400 = arith.index_cast %add3A_399 : i32 to index
      %get3A_401 = tpu.vector_load %arg9[%get3A_400] {strides = array<i32>} : memref<13312xf32, #tpu.memory_space<vmem>>, vector<16xf32>,
      %add3A_402 = arith.addf %add3A_397, %get3A_401 : vector<16xf32>
      %add3A_403 = arith.constant 10240 : i32
      %add3A_404 = arith.addi %add3A_403, %mul3A_305 : i32
      %get3A_405 = arith.index_cast %add3A_404 : i32 to index
      %get3A_406 = tpu.vector_load %arg9[%get3A_405] {strides = array<i32>} : memref<13312xf32, #tpu.memory_space<vmem>>, vector<16xf32>,
      %add3A_407 = arith.addf %add3A_402, %get3A_406 : vector<16xf32>
      %add3A_408 = arith.constant 10752 : i32
      %add3A_409 = arith.addi %add3A_408, %mul3A_305 : i32
      %get3A_410 = arith.index_cast %add3A_409 : i32 to index
      %get3A_411 = tpu.vector_load %arg9[%get3A_410] {strides = array<i32>} : memref<13312xf32, #tpu.memory_space<vmem>>, vector<16xf32>,
      %add3A_412 = arith.addf %add3A_407, %get3A_411 : vector<16xf32>
      %add3A_413 = arith.constant 11264 : i32
      %add3A_414 = arith.addi %add3A_413, %mul3A_305 : i32
      %get3A_415 = arith.index_cast %add3A_414 : i32 to index
      %get3A_416 = tpu.vector_load %arg9[%get3A_415] {strides = array<i32>} : memref<13312xf32, #tpu.memory_space<vmem>>, vector<16xf32>,
      %add3A_417 = arith.addf %add3A_412, %get3A_416 : vector<16xf32>
      %add3A_418 = arith.constant 11776 : i32
      %add3A_419 = arith.addi %add3A_418, %mul3A_305 : i32
      %get3A_420 = arith.index_cast %add3A_419 : i32 to index
      %get3A_421 = tpu.vector_load %arg9[%get3A_420] {strides = array<i32>} : memref<13312xf32, #tpu.memory_space<vmem>>, vector<16xf32>,
      %add3A_422 = arith.addf %add3A_417, %get3A_421 : vector<16xf32>
      %add3A_423 = arith.constant 12288 : i32
      %add3A_424 = arith.addi %add3A_423, %mul3A_305 : i32
      %get3A_425 = arith.index_cast %add3A_424 : i32 to index
      %get3A_426 = tpu.vector_load %arg9[%get3A_425] {strides = array<i32>} : memref<13312xf32, #tpu.memory_space<vmem>>, vector<16xf32>,
      %add3A_427 = arith.addf %add3A_422, %get3A_426 : vector<16xf32>
      %add3A_428 = arith.constant 12800 : i32
      %add3A_429 = arith.addi %add3A_428, %mul3A_305 : i32
      %get3A_430 = arith.index_cast %add3A_429 : i32 to index
      %get3A_431 = tpu.vector_load %arg9[%get3A_430] {strides = array<i32>} : memref<13312xf32, #tpu.memory_space<vmem>>, vector<16xf32>,
      %add3A_432 = arith.addf %add3A_427, %get3A_431 : vector<16xf32>
      %div3A = arith.constant 2.600000e+01 : f32
      %div3A_433 = vector.broadcast %div3A : f32 to vector<16xf32>
      %div3A_434 = arith.divf %add3A_432, %div3A_433 : vector<16xf32>
      %add3A_435 = arith.addf %div3A_434, %get3A_294 : vector<16xf32>
      %swap3A = arith.index_cast %mul3A_305 : i32 to index
      %swap3A_436 = tpu.vector_load %arg10[%swap3A] {strides = array<i32>} : memref<512xf32, #tpu.memory_space<vmem>>, vector<16xf32>,
      tpu.vector_store %arg10[%swap3A], %add3A_435 {strides = array<i32>} : memref<512xf32, #tpu.memory_space<vmem>>, vector<16xf32>,
    }
    %scan3A_300 = arith.constant 32 : i32
    %mul3A_301 = arith.constant 512 : i32
    %mul3A_302 = arith.muli %add3A, %mul3A_301 : i32
    "tpu.region"() ({
      %run_scoped3A = tpu.sem_alloc : memref<!tpu.dma_semaphore, #tpu.memory_space<semaphore_mem>>
      %dma_start3A_303 = tpu.memref_slice %arg6[%mul3A_302] : memref<16384xf32, #tpu.memory_space<hbm>> -> memref<512xf32, #tpu.memory_space<hbm>>
      %dma_start3A_304 = tpu.memref_slice %arg6[%mul3A_302] : memref<16384xf32, #tpu.memory_space<hbm>> -> memref<512xf32, #tpu.memory_space<hbm>>
      tpu.enqueue_dma source(%arg10 : memref<512xf32, #tpu.memory_space<vmem>>) target(%dma_start3A_304 : memref<512xf32, #tpu.memory_space<hbm>>) target_semaphore(%run_scoped3A : memref<!tpu.dma_semaphore, #tpu.memory_space<semaphore_mem>>)
      %dma_wait3A_305 = tpu.memref_slice %arg6[%mul3A_302] : memref<16384xf32, #tpu.memory_space<hbm>> -> memref<512xf32, #tpu.memory_space<hbm>>
      %dma_wait3A_306 = tpu.memref_slice %arg6[%mul3A_302] : memref<16384xf32, #tpu.memory_space<hbm>> -> memref<512xf32, #tpu.memory_space<hbm>>
      tpu.wait_dma2 semaphore(%run_scoped3A : memref<!tpu.dma_semaphore, #tpu.memory_space<semaphore_mem>>) src(%arg10 : memref<512xf32, #tpu.memory_space<vmem>>) dst(%dma_wait3A_306 : memref<512xf32, #tpu.memory_space<hbm>>)
      tpu.yield
    }) : () -> ()
    return
  }
}

</mosaic_0001>

<sc_bundles>
// kernel: _emb.3.cloned.1.call-start
scs
__scs_entry_jumppad:
0x0: {  	(pc) =	sbr.rel $0x88, $3  }
0x1: {  	(tag) =	ssettag $0x0;
	lr =	simm.s32 $0x1  }
0x2: {  	[smem:$0x3F9D] =	sst lr;
	_ =	strace $0xD0000000  }
0x3: {  	_ = 	snop  }
0x4: {  	_ = 	snop  }
0x5: {  	_ = 	snop  }
0x6: {  	_ = 	snop  }
0x7: {  	_ = 	snop  }
__scs_overlays_trampoline_lowered:
0x8: {  	[smem:$0x3FAC] =	sst s0  }
0x9: {  	[smem:$0x3FAD] =	sst s1  }
0xa: {  	[smem:$0x3FAE] =	sst s2  }
0xb: {  	[smem:$0x3FAF] =	sst s3  }
0xc: {  	[smem:$0x3FB0] =	sst s4  }
0xd: {  	[smem:$0x3FB1] =	sst s5  }
0xe: {  	[smem:$0x3FB2] =	sst s6  }
0xf: {  	[smem:$0x3FB3] =	sst s7  }
0x10: {  	[smem:$0x3FB4] =	sst s8  }
0x11: {  	[smem:$0x3FB5] =	sst s9;
	s0 =	simm.s32 @!p0 $0x0  }
0x12: {  	s1 =	sld [smem:$0x3F9B];
	s0 =	simm.s32 @p0 $0x1  }
0x13: {  	[smem:$0x3FB6] =	sst s0;
	s0 =	simm.s32 @!p1 $0x0  }
0x14: {  	s2 =	sld [smem:$0x3F9A];
	s0 =	simm.s32 @p1 $0x1  }
0x15: {  	[smem:$0x3FB7] =	sst s0;
	s0 =	simm.s32 @!p2 $0x0  }
0x16: {  	s3 =	sld [smem:$0x3FDB];
	s0 =	simm.s32 @p2 $0x1  }
0x17: {  	s4 =	simm.s32 $0x1BF5;
	[smem:$0x3FB9] =	sst s0  }
0x18: {  	s0 =	sld [smem:$0x3F9C];
	_ =	swait.ge [sflag:s4], $0x0  }
0x19: {  	s7 =	sld [smem:$0x3F9D]  }
0x1a: {  	s8 =	sadd.s32 $0xFFFFE003, lr  }
0x1b: {  	s9 =	sadd.s32 $0xFFFFFEF7, lr;
	s5 =	simm.s32 $0xFFFFFFFF;
	p2 =	slt.u32 s8, $0xFFFFF086  }
0x1c: {  	p1 =	slt.u32 s9, $0xF7A;
	s5 =	simm.s32 @!p2 $0x0  }
0x1d: {  	s5 =	simm.s32 @p1 $0x1;
	p0 =	seq.s32 s7, s2  }
0x1e: {  	s7 =	smul.u32 @!p0 $0xF7A, s2;
	p2 =	seq.s32 @!p0 s5, $0x0  }
0x1f: {  	s9 =	smul.u32 $0xF7A, s1;
	s8 =	simm.s32 @!p0 $0x1BF5;
	p2 =	por !p2, p0  }
0x20: {  	[sflag:s8] =	ssyncset.s32 @!p0 $0xFFFFF086;
	s6 =	sadd.s32 @!p0 s3, s7;
	s7 =	simm.s32 @!p0 $0x108  }
0x21: {  	s3 =	sadd.s32 s3, s9;
	s6 =	sadd.s32 @!p0 $0x88, s6;
	s7 =	simm.s32 @p2 $0x1082  }
0x22: {  	[simem:s7], [sflag:s8] =	dma.local @!p0 [hbm:s6], $0xF7A  }
0x23: {  	s9 =	sor.u32 $0xD0000000, s2;
	s6 =	simm.s32 $0x108;
	_ =	swait.ge @!p0 [sflag:s8], $0x0  }
0x24: {  	s3 =	sadd.s32 $0x88, s3;
	s6 =	simm.s32 @!p1 $0x1082;
	[sflag:s4] =	ssyncset.s32 $0xFFFFF086  }
0x25: {  	[simem:s6], [sflag:s4] =	dma.local [hbm:s3], $0xF7A  }
0x26: {  	[smem:$0x3F9D] =	sst s1;
	(tag) =	ssettag s2;
	_ =	strace s9  }
0x27: {  	s1 =	sld [smem:$0x3FAD]  }
0x28: {  	s2 =	sld [smem:$0x3FAE]  }
0x29: {  	s4 =	sld [smem:$0x3FB0]  }
0x2a: {  	p0 =	seq.s32 s5, $0x0;
	s5 =	sld [smem:$0x3FB1]  }
0x2b: {  	s6 =	sld [smem:$0x3FB2]  }
0x2c: {  	s7 =	sld [smem:$0x3FB3]  }
0x2d: {  	s3 =	simm.s32 $0x108;
	s8 =	sld [smem:$0x3FB4]  }
0x2e: {  	s3 =	simm.s32 @!p0 $0x1082;
	s9 =	sld [smem:$0x3FB5]  }
0x2f: {  	lr =	sadd.s32 s0, s3;
	s0 =	sld [smem:$0x3FAC]  }
0x30: {  	s3 =	sld [smem:$0x3FAF]  }
0x31: {  	[smem:$0x3FB8] =	sst s10  }
0x32: {  	s10 =	sld [smem:$0x3FB6];
	_ =	sdelay $0x3  }
0x33: {  	p0 =	seq.s32 s10, $0x1;
	s10 =	sld [smem:$0x3FB8];
	_ =	sdelay $0x3  }
0x34: {  	[smem:$0x3FB8] =	sst s10  }
0x35: {  	s10 =	sld [smem:$0x3FB7];
	_ =	sdelay $0x3  }
0x36: {  	p1 =	seq.s32 s10, $0x1;
	s10 =	sld [smem:$0x3FB8];
	_ =	sdelay $0x3  }
0x37: {  	[smem:$0x3FB8] =	sst s10  }
0x38: {  	s10 =	sld [smem:$0x3FB9]  }
0x39: {  	_ = 	snop;
	(pc) =	sbr.ind lr, $3  }
0x3a: {  	_ = 	snop  }
0x3b: {  	_ = 	snop  }
0x3c: {  	p2 =	seq.s32 s10, $0x1;
	s10 =	sld [smem:$0x3FB8]  }
0x3d: {  	_ =	shalt  }
0x3e: {  	_ =	shalt  }
0x3f: {  	_ =	shalt  }
0x40: {  	_ =	shalt  }
0x41: {  	_ =	shalt  }
0x42: {  	_ =	shalt  }
0x43: {  	_ =	shalt  }
0x44: {  	_ =	shalt  }
0x45: {  	_ =	shalt  }
0x46: {  	_ =	shalt  }
0x47: {  	_ =	shalt  }
0x48: {  	_ =	shalt  }
0x49: {  	_ =	shalt  }
0x4a: {  	_ =	shalt  }
0x4b: {  	_ =	shalt  }
0x4c: {  	_ =	shalt  }
0x4d: {  	_ =	shalt  }
0x4e: {  	_ =	shalt  }
0x4f: {  	_ =	shalt  }
0x50: {  	_ =	shalt  }
0x51: {  	_ =	shalt  }
0x52: {  	_ =	shalt  }
0x53: {  	_ =	shalt  }
0x54: {  	_ =	shalt  }
0x55: {  	_ =	shalt  }
0x56: {  	_ =	shalt  }
0x57: {  	_ =	shalt  }
0x58: {  	_ =	shalt  }
0x59: {  	_ =	shalt  }
0x5a: {  	_ =	shalt  }
0x5b: {  	_ =	shalt  }
0x5c: {  	_ =	shalt  }
0x5d: {  	_ =	shalt  }
0x5e: {  	_ =	shalt  }
0x5f: {  	_ =	shalt  }
0x60: {  	_ =	shalt  }
0x61: {  	_ =	shalt  }
0x62: {  	_ =	shalt  }
0x63: {  	_ =	shalt  }
0x64: {  	_ =	shalt  }
0x65: {  	_ =	shalt  }
0x66: {  	_ =	shalt  }
0x67: {  	_ =	shalt  }
0x68: {  	_ =	shalt  }
0x69: {  	_ =	shalt  }
0x6a: {  	_ =	shalt  }
0x6b: {  	_ =	shalt  }
0x6c: {  	_ =	shalt  }
0x6d: {  	_ =	shalt  }
0x6e: {  	_ =	shalt  }
0x6f: {  	_ =	shalt  }
0x70: {  	_ =	shalt  }
0x71: {  	_ =	shalt  }
0x72: {  	_ =	shalt  }
0x73: {  	_ =	shalt  }
0x74: {  	_ =	shalt  }
0x75: {  	_ =	shalt  }
0x76: {  	_ =	shalt  }
0x77: {  	_ =	shalt  }
0x78: {  	_ =	shalt  }
0x79: {  	_ =	shalt  }
0x7a: {  	_ =	shalt  }
0x7b: {  	_ =	shalt  }
0x7c: {  	_ =	shalt  }
0x7d: {  	_ =	shalt  }
0x7e: {  	_ =	shalt  }
0x7f: {  	_ =	shalt  }
0x80: {  	_ =	shalt  }
0x81: {  	_ =	shalt  }
0x82: {  	_ =	shalt  }
0x83: {  	_ =	shalt  }
0x84: {  	_ =	shalt  }
0x85: {  	_ =	shalt  }
0x86: {  	_ =	shalt  }
0x87: {  	_ =	shalt  }
.Lfunc_end0:
.L_simem_size_0:
called_computation_lowered:
.L_overlay_start_0:
0x88: {  	s2 =	sld [smem:$0x3FD9]  }
0x89: {  	s3 =	sld [smem:$0x3FFE];
	_ =	sdelay $0x1  }
0x8a: {  	s1 =	srdreg.scid  }
0x8b: {  	s0 =	sand.u32 $0x1, s1  }
0x8c: {  	s17 =	sshll.u32 s0, $0xA;
	s2 =	sadd.s32 s3, s2  }
0x8d: {  	s2 =	sadd.s32 s2, s17  }
0x8e: {  	[smem:$0x3FC4] =	sst s2  }
0x8f: {  	_ = 	snop  }
0x90: {  	s2 =	sld [smem:$0x3FC8]  }
0x91: {  	s18 =	sld [smem:$0x3FC7]  }
0x92: {  	s4 =	sld [smem:$0x3FC6]  }
0x93: {  	s5 =	sld [smem:$0x3FD0];
	(tm) =	ssettm $0x1  }
0x94: {  	s6 =	sld [smem:$0x3FFB];
	_ =	sdelay $0x3  }
0x95: {  	_ =	strace s6  }
0x96: {  	s6 =	sld [smem:$0x3FFC];
	_ =	sdelay $0x3  }
0x97: {  	_ =	strace s6  }
0x98: {  	s6 =	sld [smem:$0x3FFD];
	_ =	sdelay $0x3  }
0x99: {  	_ =	strace s6  }
0x9a: {  	_ =	strace $0x8FFFFFFF  }
0x9b: {  	s19 =	sld [smem:$0x3FDB];
	_ =	sdelay $0x1  }
0x9c: {  	s7 =	simm.s32 $_scs_section_size  }
0x9d: {  	s8 =	simm.s32 $_size__tile_overlayer_lowered;
	s9 =	simm.s32 $_tile_overlayer_lowered  }
0x9e: {  	s22 =	simm.s32 $0x1BFF;
	s21 =	sshll.u32 s9, $0x1;
	s6 =	sadd.s32 s7, s19  }
0x9f: {  	s10 =	simm.s32 $0x0;
	s20 =	sshll.u32 s8, $0x1;
	s8 =	sadd.s32 s21, s6  }
0xa0: {  	[timem:s10], [sflag:s22] =	dma.local [hbm:s8], s20  }
0xa1: {  	_ =	swait.ge [sflag:s22], s20  }
0xa2: {  	s7 =	ssub.s32 $0x0, s20;
	[sflag:s22] =	ssyncset.done $0x0  }
0xa3: {  	[sflag:s22] =	ssyncadd.s32 s7;
	_ =	sdelay $0x1  }
0xa4: {  	s23 =	simm.s32 $0x1B8B  }
0xa5: {  	_ =	swait.ge [sflag:s23], $0x1  }
0xa6: {  	[sflag:s23] =	ssyncset.done $0x0  }
0xa7: {  	s25 =	simm.s32 $0x1B8E;
	s24 =	sld [smem:$0x3FFE];
	[sflag:s23] =	ssyncadd.s32 $0xFFFFFFFF  }
0xa8: {  	s26 =	simm.s32 $execute0_lowered;
	[smem:$0x3FD2] =	sst s25  }
0xa9: {  	s8 =	sshll.u32 s26, $0x1;
	_ =	strace $0x80000046;
	[dreg:$0x1] =	wrdreg $0xFFFFFFFF  }
0xaa: {  	s28 =	simm.s32 $_size_execute0_lowered;
	s6 =	sadd.s32 s6, s8;
	[dreg:$0x0] =	wrdreg $0x0  }
0xab: {  	s8 =	sshll.u32 s28, $0x1;
	[dreg:$0x2] =	wrdreg s6  }
0xac: {  	[dreg:$0x3] =	wrdreg s8  }
0xad: {  	[dreg:$0x4] =	wrdreg $0xC0  }
0xae: {  	_ =	task [dreg:s10], $0x5FFFF  }
0xaf: {  	[dreg:$0x1] =	wrdreg $0xFFFFFFFF  }
0xb0: {  	[dreg:$0x0] =	wrdreg $0x60  }
0xb1: {  	[dreg:$0x2] =	wrdreg s24  }
0xb2: {  	[dreg:$0x3] =	wrdreg s2  }
0xb3: {  	[dreg:$0x4] =	wrdreg s18  }
0xb4: {  	[dreg:$0x5] =	wrdreg s4  }
0xb5: {  	[dreg:$0x6] =	wrdreg s5  }
0xb6: {  	[dreg:$0x7] =	wrdreg $0x9  }
0xb7: {  	_ =	task.clear_ibuf [dreg:s10], $0x8FFFF;
	_ =	strace $0x90000046  }
0xb8: {  	s29 =	simm.s32 $0x9;
	_ =	strace $0x80000048  }
0xb9: {  	_ =	swait.ge [sflag:s29], $0x1  }
0xba: {  	[sflag:s29] =	ssyncadd.s32 $0xFFFFFFFF  }
0xbb: {  	_ =	strace $0x90000048  }
0xbc: {  	_ =	sfence  }
0xbd: {  	s30 =	sld [smem:$0x0];
	_ =	sdelay $0x2  }
0xbe: {  	s31 =	sshll.u32 s1, $0xD;
	s1 =	sshrl.u32 s1, $0x2  }
0xbf: {  	s3 =	sand.u32 $0x4000, s31;
	s1 =	sadd.s32 s1, s30  }
0xc0: {  	s0 =	sor.u32 s3, s0;
	s1 =	sshll.u32 s1, $0x11  }
0xc1: {  	s0 =	sor.u32 s1, s0  }
0xc2: {  	s0 =	sadd.s32 $0x8F2B, s0  }
0xc3: {  	[sflag:s0] =	ssyncadd.remote.s32 $0x1  }
0xc4: {  	_ =	sfence.sel $0xFFFF  }
0xc5: {  	[dreg:$0x0] =	wrdreg $0xFFFFFFFF;
	(pc) =	sbr.abs _section_cstart, $3  }
0xc6: {  	[dreg:$0x1] =	wrdreg $0xFFFFFFFF  }
0xc7: {  	_ =	task.clear_ibuf [dreg:s10], $0x2FFFF;
	_ =	strace $0x9FFFFFFF  }
0xc8: {  	(tm) =	ssettm $0x7FFFFFFF  }
0xc9: {  	_ =	shalt  }
tec
execute0_lowered:
.L_overlay_start_1:
0x0: {  	(tag) =	ssettag $0x1  }
0x1: {  	s0 =	rddreg [dreg:$0x0]  }
0x2: {  	s1 =	rddreg [dreg:$0x1]  }
0x3: {  	s2 =	rddreg [dreg:$0x4];
	s3 =	srdreg.scid;
	s5 =	simm.s32 $0x0  }
0x4: {  	s4 =	stileid.u32;
	[smem:$0x7FF] =	sst s5  }
0x5: {  	s9 =	simm.s32 $0x2;
	s10 =	simm.s32 $0x16A00;
	v0 =	vimm.f32 $2.600000000e+01;
	_ =	strace $0x80000047  }
0x6: {  	s12 =	simm.s32 $0x10000;
	s14 =	simm.s32 $0x340;
	s11 =	simm.s32 $0x123C0;
	(erf) = vrcp.f32 v0  }
0x7: {  	s13 =	simm.s32 $0x157C0;
	s15 =	simm.s32 $0x12700;
	s16 =	simm.s32 $0x15B00  }
0x8: {  	s17 =	simm.s32 $0x12A40;
	s18 =	simm.s32 $0x15E40;
	s19 =	simm.s32 $0x12D80  }
0x9: {  	s20 =	simm.s32 $0x16180;
	s21 =	simm.s32 $0x130C0;
	s22 =	simm.s32 $0x164C0  }
0xa: {  	s23 =	simm.s32 $0x1;
	s24 =	simm.s32 $0x16800;
	s3 =	sand.u32 $0x1, s3  }
0xb: {  	s4 =	sshll.u32 s4, $0xA;
	s6 =	sshll.u32 s3, $0x9;
	s3 =	ssub.s32 $0x2, s3  }
0xc: {  	s25 =	simm.s32 $0x0;
	s4 =	sor.u32 s6, s4;
	s7 =	sshrl.u32 s3, $0x1  }
0xd: {  	s6 =	sshll.u32 s4, $0x4;
	s3 =	ssub.s32 s3, s7;
	s4 =	sshrl.u32 s4, $0x3  }
0xe: {  	v1 =	vlaneseq.u32;
	s0 =	sadd.s32 s6, s0;
	s7 =	sadd.s32 s2, s4;
	s8 =	smax.u32 s3, $0x1  }
0xf: {  	v1 =	vmul.u32 $0x80, v1;
	s2 =	simm.s32 $0x12080;
	s4 =	simm.s32 $0x15480;
	s6 =	sadd.s32 $0x400, s0;
	v0 =	vpop (erf)  }
.LBB2_1:
0x10: {  	[tilespmem:s5], [sflag:$0x2] =	stream.linear.gather [hbm4b:s6+s5], $0x10000, $0x38;
	[tilespmem:$0x16B00] =	vst v63  }
0x11: {  	_ =	swait.ge [sflag:s9], $0x10000  }
0x12: {  	[sflag:s9] =	ssyncset.done $0x0  }
0x13: {  	[sflag:s9] =	ssyncadd.s32 $0xFFFF0000  }
0x14: {  	s0 =	simm.s32 $0x0;
	s26 =	sand.u32 $0x1F0, s5;
	s3 =	rddreg [dreg:$0x2]  }
0x15: {  	v2 =	vmov s0;
	[tilespmem:s10], [sflag:$0x2] =	stream.linear.gather [hbm4b:s3+s5], $0x80, $0x38;
	[tilespmem:$0x16B00] =	vst v63  }
0x16: {  	v3 =	vmov s26;
	v2 =	vand.u32 $0x7F, v2;
	_ =	swait.ge [sflag:s9], $0x80  }
0x17: {  	v3 =	vshll.u32 v3, $0x7;
	v2 =	vbroadcast v2, $0x0;
	[sflag:s9] =	ssyncset.done $0x0  }
0x18: {  	v3 =	vor.u32 v1, v3;
	[sflag:s9] =	ssyncadd.s32 $0xFFFFFF80  }
0x19: {  	s26 =	simm.s32 $0x16A80;
	v2 =	vor.u32 v2, v3;
	s3 =	rddreg [dreg:$0x3]  }
0x1a: {  	[tilespmem:s26], [sflag:$0x2] =	stream.linear.gather [hbm4b:s3+s5], $0x80, $0x38;
	[tilespmem:$0x16B00] =	vst v63  }
0x1b: {  	_ =	swait.ge [sflag:s9], $0x80  }
0x1c: {  	[sflag:s9] =	ssyncset.done $0x0  }
0x1d: {  	s28 =	simm.s32 $0x10;
	s26 =	simm.s32 $0x0;
	[sflag:s9] =	ssyncadd.s32 $0xFFFFFF80  }
0x1e: {  	s28 =	sand.u32 $0x1F0, s28;
	v3 =	vmov s26;
	v2 =	vld.idx.msk [tilespmem:v2+s5+$0x0], $0xffff  }
0x1f: {  	v4 =	vmov s28;
	v3 =	vand.u32 $0x7F, v3  }
0x20: {  	v4 =	vshll.u32 v4, $0x7;
	v3 =	vbroadcast v3, $0x0  }
0x21: {  	s0 =	smul.u32 $0x186A0, s0;
	v4 =	vor.u32 v1, v4  }
0x22: {  	v3 =	vor.u32 v3, v4  }
0x23: {  	v2 =	vadd.s32 s0, v2  }
0x24: {  	vm0 =	vlt.s32 v2, $0x27ABFF  }
0x25: {  	v2 =	vnsel vm0, $0x27ABFF, v2  }
0x26: {  	s29 =	simm.s32 $0x0;
	[tilespmem:s12+$0x0] =	vst v2  }
0x27: {  	s30 =	simm.s32 $0x3;
	s31 =	simm.s32 $0x20;
	s28 =	simm.s32 $0x10000;
	v2 =	vld.idx.msk [tilespmem:v3+s5+$0x0], $0xffff  }
.LBB2_2:
0x28: {  	p0 =	sne.s32 s30, $0x33;
	s0 =	sand.u32 $0x1F0, s31;
	v3 =	vmov s29  }
0x29: {  	v4 =	vmov s0;
	v3 =	vand.u32 $0x7F, v3  }
0x2a: {  	v4 =	vshll.u32 v4, $0x7;
	v3 =	vbroadcast v3, $0x0  }
0x2b: {  	s0 =	smul.u32 $0x186A0, s26;
	s26 =	smov.u32 s29;
	v4 =	vor.u32 v1, v4  }
0x2c: {  	v3 =	vor.u32 v3, v4  }
.Ltmp0:
0x2d: {  	v2 =	vadd.s32 s0, v2;
	(pc) =	sbr.rel @p0 .LBB2_2-.Ltmp0, $4  }
0x2e: {  	vm0 =	vlt.s32 v2, $0x27ABFF  }
0x2f: {  	s28 =	sadd.s32 $0x10, s28;
	v2 =	vnsel vm0, $0x27ABFF, v2  }
0x30: {  	[tilespmem:s28+$0x0] =	vst v2  }
0x31: {  	s31 =	sadd.s32 $0x10, s31;
	s29 =	sshrl.u32 s30, $0x5;
	s30 =	sadd.s32 $0x1, s30;
	v2 =	vld.idx.msk [tilespmem:v3+s5+$0x0], $0xffff  }
0x32: {  	s0 =	sand.u32 $0x1F0, s31;
	v3 =	vmov s29  }
0x33: {  	v4 =	vmov s0;
	v3 =	vand.u32 $0x7F, v3  }
0x34: {  	v4 =	vshll.u32 v4, $0x7;
	v3 =	vbroadcast v3, $0x0  }
0x35: {  	s26 =	smul.u32 $0x186A0, s26;
	v4 =	vor.u32 v1, v4  }
0x36: {  	v3 =	vor.u32 v3, v4  }
0x37: {  	v2 =	vadd.s32 s26, v2  }
0x38: {  	vm0 =	vlt.s32 v2, $0x27ABFF  }
0x39: {  	s3 =	sadd.s32 $0x10, s28;
	v2 =	vnsel vm0, $0x27ABFF, v2  }
0x3a: {  	[tilespmem:s3+$0x0] =	vst v2  }
0x3b: {  	v2 =	vld.idx.msk [tilespmem:v3+s5+$0x0], $0xffff  }
0x3c: {  	s28 =	simm.s32 $0x1;
	s26 =	simm.s32 $0x340  }
0x3d: {  	s30 =	sand.u32 $0x1F0, s26;
	v3 =	vmov s28  }
0x3e: {  	s29 =	smul.u32 $0x186A0, s29;
	v62 =	vmov s30;
	v3 =	vand.u32 $0x7F, v3  }
0x3f: {  	v4 =	vshll.u32 v62, $0x7;
	v3 =	vbroadcast v3, $0x0  }
0x40: {  	v4 =	vor.u32 v1, v4;
	v2 =	vadd.s32 s29, v2  }
0x41: {  	v3 =	vor.u32 v3, v4;
	vm14 =	vlt.s32 v2, $0x27ABFF  }
0x42: {  	s0 =	sadd.s32 $0x10, s3;
	v2 =	vnsel vm14, $0x27ABFF, v2  }
0x43: {  	s3 =	simm.s32 $0x13400;
	[tilespmem:s0+$0x0] =	vst v2  }
0x44: {  	[tilespmem:s3], [sflag:$0x1] =	stream.indirect.gather [hbm4b:s1+s26], $0x1, s12, s26, $0xb8;
	[tilespmem:$0x16B00] =	vst v63  }
0x45: {  	s3 =	simm.s32 $0x350;
	s26 =	simm.s32 $0x1  }
0x46: {  	v2 =	vld.idx.msk [tilespmem:v3+s5+$0x0], $0xffff;
	s0 =	sand.u32 $0x1F0, s3;
	v3 =	vmov s26  }
0x47: {  	v63 =	vmov s0;
	v3 =	vand.u32 $0x7F, v3  }
0x48: {  	v4 =	vshll.u32 v63, $0x7;
	v3 =	vbroadcast v3, $0x0  }
0x49: {  	s3 =	smul.u32 $0x186A0, s28;
	v4 =	vor.u32 v1, v4  }
0x4a: {  	v3 =	vor.u32 v3, v4  }
0x4b: {  	v2 =	vadd.s32 s3, v2  }
0x4c: {  	vm15 =	vlt.s32 v2, $0x27ABFF  }
0x4d: {  	s28 =	simm.s32 $0x10340;
	v2 =	vnsel vm15, $0x27ABFF, v2  }
0x4e: {  	s31 =	simm.s32 $0x36;
	[tilespmem:s28+$0x0] =	vst v2  }
0x4f: {  	s30 =	simm.s32 $0x360;
	s29 =	simm.s32 $0x1;
	s0 =	simm.s32 $0x370;
	v2 =	vld.idx.msk [tilespmem:v3+s5+$0x0], $0xffff  }
.LBB2_4:
0x50: {  	p0 =	sne.s32 s0, $0x670;
	s3 =	sand.u32 $0x1F0, s30;
	v3 =	vmov s29;
	s30 =	smov.u32 s0  }
0x51: {  	v4 =	vmov s3;
	v3 =	vand.u32 $0x7F, v3  }
0x52: {  	v4 =	vshll.u32 v4, $0x7;
	v3 =	vbroadcast v3, $0x0  }
0x53: {  	s3 =	smul.u32 $0x186A0, s26;
	s26 =	smov.u32 s29;
	v4 =	vor.u32 v1, v4  }
0x54: {  	v3 =	vor.u32 v3, v4  }
.Ltmp1:
0x55: {  	v2 =	vadd.s32 s3, v2;
	(pc) =	sbr.rel @p0 .LBB2_4-.Ltmp1, $4  }
0x56: {  	vm0 =	vlt.s32 v2, $0x27ABFF  }
0x57: {  	s28 =	sadd.s32 $0x10, s28;
	v2 =	vnsel vm0, $0x27ABFF, v2  }
0x58: {  	s31 =	sadd.s32 $0x1, s31;
	[tilespmem:s28+$0x0] =	vst v2  }
0x59: {  	s0 =	sadd.s32 $0x10, s0;
	s29 =	sshrl.u32 s31, $0x5;
	v2 =	vld.idx.msk [tilespmem:v3+s5+$0x0], $0xffff  }
0x5a: {  	s0 =	sand.u32 $0x1F0, s30;
	v3 =	vmov s29  }
0x5b: {  	v4 =	vmov s0;
	v3 =	vand.u32 $0x7F, v3  }
0x5c: {  	v4 =	vshll.u32 v4, $0x7;
	v3 =	vbroadcast v3, $0x0  }
0x5d: {  	s26 =	smul.u32 $0x186A0, s26;
	v4 =	vor.u32 v1, v4  }
0x5e: {  	v3 =	vor.u32 v3, v4  }
0x5f: {  	v2 =	vadd.s32 s26, v2  }
0x60: {  	vm0 =	vlt.s32 v2, $0x27ABFF  }
0x61: {  	s0 =	sadd.s32 $0x10, s28;
	v2 =	vnsel vm0, $0x27ABFF, v2  }
0x62: {  	[tilespmem:s0+$0x0] =	vst v2  }
0x63: {  	v2 =	vld.idx.msk [tilespmem:v3+s5+$0x0], $0xffff  }
0x64: {  	s3 =	simm.s32 $0x680;
	s28 =	simm.s32 $0x3  }
0x65: {  	s3 =	sand.u32 $0x1F0, s3;
	v3 =	vmov s28  }
0x66: {  	v62 =	vmov s3;
	s26 =	smul.u32 $0x186A0, s29;
	v3 =	vand.u32 $0x7F, v3  }
0x67: {  	v4 =	vshll.u32 v62, $0x7;
	v3 =	vbroadcast v3, $0x0  }
0x68: {  	v4 =	vor.u32 v1, v4;
	v2 =	vadd.s32 s26, v2  }
0x69: {  	v3 =	vor.u32 v3, v4;
	vm14 =	vlt.s32 v2, $0x27ABFF  }
0x6a: {  	s0 =	sadd.s32 $0x10, s0;
	v2 =	vnsel vm14, $0x27ABFF, v2  }
0x6b: {  	s3 =	simm.s32 $0x10340;
	s26 =	simm.s32 $0x13740;
	[tilespmem:s0+$0x0] =	vst v2  }
0x6c: {  	[tilespmem:s26], [sflag:$0x1] =	stream.indirect.gather [hbm4b:s1+s14], $0x1, s3, s14, $0xb8;
	[tilespmem:$0x16B00] =	vst v63  }
0x6d: {  	s3 =	simm.s32 $0x690;
	s26 =	simm.s32 $0x3  }
0x6e: {  	v2 =	vld.idx.msk [tilespmem:v3+s5+$0x0], $0xffff;
	s0 =	sand.u32 $0x1F0, s3;
	v3 =	vmov s26  }
0x6f: {  	v63 =	vmov s0;
	v3 =	vand.u32 $0x7F, v3  }
0x70: {  	v4 =	vshll.u32 v63, $0x7;
	v3 =	vbroadcast v3, $0x0  }
0x71: {  	s3 =	smul.u32 $0x186A0, s28;
	v4 =	vor.u32 v1, v4  }
0x72: {  	v3 =	vor.u32 v3, v4  }
0x73: {  	v2 =	vadd.s32 s3, v2  }
0x74: {  	vm15 =	vlt.s32 v2, $0x27ABFF  }
0x75: {  	s28 =	simm.s32 $0x10680;
	v2 =	vnsel vm15, $0x27ABFF, v2  }
0x76: {  	s30 =	simm.s32 $0x6A0;
	[tilespmem:s28+$0x0] =	vst v2  }
0x77: {  	s31 =	simm.s32 $0x6A;
	s29 =	simm.s32 $0x3;
	s0 =	simm.s32 $0x6B0;
	v2 =	vld.idx.msk [tilespmem:v3+s5+$0x0], $0xffff  }
.LBB2_6:
0x78: {  	p0 =	sne.s32 s0, $0x9B0;
	s3 =	sand.u32 $0x1F0, s30;
	v3 =	vmov s29;
	s30 =	smov.u32 s0  }
0x79: {  	v4 =	vmov s3;
	v3 =	vand.u32 $0x7F, v3  }
0x7a: {  	v4 =	vshll.u32 v4, $0x7;
	v3 =	vbroadcast v3, $0x0  }
0x7b: {  	s3 =	smul.u32 $0x186A0, s26;
	s26 =	smov.u32 s29;
	v4 =	vor.u32 v1, v4  }
0x7c: {  	v3 =	vor.u32 v3, v4  }
.Ltmp2:
0x7d: {  	v2 =	vadd.s32 s3, v2;
	(pc) =	sbr.rel @p0 .LBB2_6-.Ltmp2, $4  }
0x7e: {  	vm0 =	vlt.s32 v2, $0x27ABFF  }
0x7f: {  	s28 =	sadd.s32 $0x10, s28;
	v2 =	vnsel vm0, $0x27ABFF, v2  }
0x80: {  	s31 =	sadd.s32 $0x1, s31;
	[tilespmem:s28+$0x0] =	vst v2  }
0x81: {  	s0 =	sadd.s32 $0x10, s0;
	s29 =	sshrl.u32 s31, $0x5;
	v2 =	vld.idx.msk [tilespmem:v3+s5+$0x0], $0xffff  }
0x82: {  	s0 =	sand.u32 $0x1F0, s30;
	v3 =	vmov s29  }
0x83: {  	v4 =	vmov s0;
	v3 =	vand.u32 $0x7F, v3  }
0x84: {  	v4 =	vshll.u32 v4, $0x7;
	v3 =	vbroadcast v3, $0x0  }
0x85: {  	s26 =	smul.u32 $0x186A0, s26;
	v4 =	vor.u32 v1, v4  }
0x86: {  	v3 =	vor.u32 v3, v4  }
0x87: {  	v2 =	vadd.s32 s26, v2  }
0x88: {  	vm0 =	vlt.s32 v2, $0x27ABFF  }
0x89: {  	s0 =	sadd.s32 $0x10, s28;
	v2 =	vnsel vm0, $0x27ABFF, v2  }
0x8a: {  	[tilespmem:s0+$0x0] =	vst v2  }
0x8b: {  	v2 =	vld.idx.msk [tilespmem:v3+s5+$0x0], $0xffff  }
0x8c: {  	s3 =	simm.s32 $0x9C0;
	s28 =	simm.s32 $0x4  }
0x8d: {  	s3 =	sand.u32 $0x1F0, s3;
	v3 =	vmov s28  }
0x8e: {  	v62 =	vmov s3;
	s26 =	smul.u32 $0x186A0, s29;
	v3 =	vand.u32 $0x7F, v3  }
0x8f: {  	v4 =	vshll.u32 v62, $0x7;
	v3 =	vbroadcast v3, $0x0  }
0x90: {  	v4 =	vor.u32 v1, v4;
	v2 =	vadd.s32 s26, v2  }
0x91: {  	v3 =	vor.u32 v3, v4;
	vm14 =	vlt.s32 v2, $0x27ABFF  }
0x92: {  	s0 =	sadd.s32 $0x10, s0;
	v2 =	vnsel vm14, $0x27ABFF, v2  }
0x93: {  	s3 =	simm.s32 $0x10680;
	s26 =	simm.s32 $0x13A80;
	[tilespmem:s0+$0x0] =	vst v2  }
0x94: {  	[tilespmem:s26], [sflag:$0x1] =	stream.indirect.gather [hbm4b:s1+s14], $0x1, s3, s14, $0xb8;
	[tilespmem:$0x16B00] =	vst v63  }
0x95: {  	s3 =	simm.s32 $0x9D0;
	s26 =	simm.s32 $0x4  }
0x96: {  	v2 =	vld.idx.msk [tilespmem:v3+s5+$0x0], $0xffff;
	s0 =	sand.u32 $0x1F0, s3;
	v3 =	vmov s26  }
0x97: {  	v63 =	vmov s0;
	v3 =	vand.u32 $0x7F, v3  }
0x98: {  	v4 =	vshll.u32 v63, $0x7;
	v3 =	vbroadcast v3, $0x0  }
0x99: {  	s3 =	smul.u32 $0x186A0, s28;
	v4 =	vor.u32 v1, v4  }
0x9a: {  	v3 =	vor.u32 v3, v4  }
0x9b: {  	v2 =	vadd.s32 s3, v2  }
0x9c: {  	vm15 =	vlt.s32 v2, $0x27ABFF  }
0x9d: {  	s28 =	simm.s32 $0x109C0;
	v2 =	vnsel vm15, $0x27ABFF, v2  }
0x9e: {  	s30 =	simm.s32 $0x9E0;
	[tilespmem:s28+$0x0] =	vst v2  }
0x9f: {  	s31 =	simm.s32 $0x9E;
	s29 =	simm.s32 $0x4;
	s0 =	simm.s32 $0x9F0;
	v2 =	vld.idx.msk [tilespmem:v3+s5+$0x0], $0xffff  }
.LBB2_8:
0xa0: {  	p0 =	sne.s32 s0, $0xCF0;
	s3 =	sand.u32 $0x1F0, s30;
	v3 =	vmov s29;
	s30 =	smov.u32 s0  }
0xa1: {  	v4 =	vmov s3;
	v3 =	vand.u32 $0x7F, v3  }
0xa2: {  	v4 =	vshll.u32 v4, $0x7;
	v3 =	vbroadcast v3, $0x0  }
0xa3: {  	s3 =	smul.u32 $0x186A0, s26;
	s26 =	smov.u32 s29;
	v4 =	vor.u32 v1, v4  }
0xa4: {  	v3 =	vor.u32 v3, v4  }
.Ltmp3:
0xa5: {  	v2 =	vadd.s32 s3, v2;
	(pc) =	sbr.rel @p0 .LBB2_8-.Ltmp3, $4  }
0xa6: {  	vm0 =	vlt.s32 v2, $0x27ABFF  }
0xa7: {  	s28 =	sadd.s32 $0x10, s28;
	v2 =	vnsel vm0, $0x27ABFF, v2  }
0xa8: {  	s31 =	sadd.s32 $0x1, s31;
	[tilespmem:s28+$0x0] =	vst v2  }
0xa9: {  	s0 =	sadd.s32 $0x10, s0;
	s29 =	sshrl.u32 s31, $0x5;
	v2 =	vld.idx.msk [tilespmem:v3+s5+$0x0], $0xffff  }
0xaa: {  	s0 =	sand.u32 $0x1F0, s30;
	v3 =	vmov s29  }
0xab: {  	v4 =	vmov s0;
	v3 =	vand.u32 $0x7F, v3  }
0xac: {  	v4 =	vshll.u32 v4, $0x7;
	v3 =	vbroadcast v3, $0x0  }
0xad: {  	s26 =	smul.u32 $0x186A0, s26;
	v4 =	vor.u32 v1, v4  }
0xae: {  	v3 =	vor.u32 v3, v4  }
0xaf: {  	v2 =	vadd.s32 s26, v2  }
0xb0: {  	vm0 =	vlt.s32 v2, $0x27ABFF  }
0xb1: {  	s0 =	sadd.s32 $0x10, s28;
	v2 =	vnsel vm0, $0x27ABFF, v2  }
0xb2: {  	[tilespmem:s0+$0x0] =	vst v2  }
0xb3: {  	v2 =	vld.idx.msk [tilespmem:v3+s5+$0x0], $0xffff  }
0xb4: {  	s3 =	simm.s32 $0xD00;
	s28 =	simm.s32 $0x6  }
0xb5: {  	s3 =	sand.u32 $0x1F0, s3;
	v3 =	vmov s28  }
0xb6: {  	v62 =	vmov s3;
	s26 =	smul.u32 $0x186A0, s29;
	v3 =	vand.u32 $0x7F, v3  }
0xb7: {  	v4 =	vshll.u32 v62, $0x7;
	v3 =	vbroadcast v3, $0x0  }
0xb8: {  	v4 =	vor.u32 v1, v4;
	v2 =	vadd.s32 s26, v2  }
0xb9: {  	v3 =	vor.u32 v3, v4;
	vm14 =	vlt.s32 v2, $0x27ABFF  }
0xba: {  	s0 =	sadd.s32 $0x10, s0;
	v2 =	vnsel vm14, $0x27ABFF, v2  }
0xbb: {  	s3 =	simm.s32 $0x109C0;
	s26 =	simm.s32 $0x13DC0;
	[tilespmem:s0+$0x0] =	vst v2  }
0xbc: {  	[tilespmem:s26], [sflag:$0x1] =	stream.indirect.gather [hbm4b:s1+s14], $0x1, s3, s14, $0xb8;
	[tilespmem:$0x16B00] =	vst v63  }
0xbd: {  	s3 =	simm.s32 $0xD10;
	s26 =	simm.s32 $0x6  }
0xbe: {  	v2 =	vld.idx.msk [tilespmem:v3+s5+$0x0], $0xffff;
	s0 =	sand.u32 $0x1F0, s3;
	v3 =	vmov s26  }
0xbf: {  	v63 =	vmov s0;
	v3 =	vand.u32 $0x7F, v3  }
0xc0: {  	v4 =	vshll.u32 v63, $0x7;
	v3 =	vbroadcast v3, $0x0  }
0xc1: {  	s3 =	smul.u32 $0x186A0, s28;
	v4 =	vor.u32 v1, v4  }
0xc2: {  	v3 =	vor.u32 v3, v4  }
0xc3: {  	v2 =	vadd.s32 s3, v2  }
0xc4: {  	vm15 =	vlt.s32 v2, $0x27ABFF  }
0xc5: {  	s28 =	simm.s32 $0x10D00;
	v2 =	vnsel vm15, $0x27ABFF, v2  }
0xc6: {  	s30 =	simm.s32 $0xD20;
	[tilespmem:s28+$0x0] =	vst v2  }
0xc7: {  	s31 =	simm.s32 $0xD2;
	s29 =	simm.s32 $0x6;
	s0 =	simm.s32 $0xD30;
	v2 =	vld.idx.msk [tilespmem:v3+s5+$0x0], $0xffff  }
.LBB2_10:
0xc8: {  	p0 =	sne.s32 s0, $0x1030;
	s3 =	sand.u32 $0x1F0, s30;
	v3 =	vmov s29;
	s30 =	smov.u32 s0  }
0xc9: {  	v4 =	vmov s3;
	v3 =	vand.u32 $0x7F, v3  }
0xca: {  	v4 =	vshll.u32 v4, $0x7;
	v3 =	vbroadcast v3, $0x0  }
0xcb: {  	s3 =	smul.u32 $0x186A0, s26;
	s26 =	smov.u32 s29;
	v4 =	vor.u32 v1, v4  }
0xcc: {  	v3 =	vor.u32 v3, v4  }
.Ltmp4:
0xcd: {  	v2 =	vadd.s32 s3, v2;
	(pc) =	sbr.rel @p0 .LBB2_10-.Ltmp4, $4  }
0xce: {  	vm0 =	vlt.s32 v2, $0x27ABFF  }
0xcf: {  	s28 =	sadd.s32 $0x10, s28;
	v2 =	vnsel vm0, $0x27ABFF, v2  }
0xd0: {  	s31 =	sadd.s32 $0x1, s31;
	[tilespmem:s28+$0x0] =	vst v2  }
0xd1: {  	s0 =	sadd.s32 $0x10, s0;
	s29 =	sshrl.u32 s31, $0x5;
	v2 =	vld.idx.msk [tilespmem:v3+s5+$0x0], $0xffff  }
0xd2: {  	s0 =	sand.u32 $0x1F0, s30;
	v3 =	vmov s29  }
0xd3: {  	v4 =	vmov s0;
	v3 =	vand.u32 $0x7F, v3  }
0xd4: {  	v4 =	vshll.u32 v4, $0x7;
	v3 =	vbroadcast v3, $0x0  }
0xd5: {  	s26 =	smul.u32 $0x186A0, s26;
	v4 =	vor.u32 v1, v4  }
0xd6: {  	v3 =	vor.u32 v3, v4  }
0xd7: {  	v2 =	vadd.s32 s26, v2  }
0xd8: {  	vm0 =	vlt.s32 v2, $0x27ABFF  }
0xd9: {  	s0 =	sadd.s32 $0x10, s28;
	v2 =	vnsel vm0, $0x27ABFF, v2  }
0xda: {  	[tilespmem:s0+$0x0] =	vst v2  }
0xdb: {  	v2 =	vld.idx.msk [tilespmem:v3+s5+$0x0], $0xffff  }
0xdc: {  	s3 =	simm.s32 $0x1040;
	s28 =	simm.s32 $0x8  }
0xdd: {  	s3 =	sand.u32 $0x1F0, s3;
	v3 =	vmov s28  }
0xde: {  	v62 =	vmov s3;
	s26 =	smul.u32 $0x186A0, s29;
	v3 =	vand.u32 $0x7F, v3  }
0xdf: {  	v4 =	vshll.u32 v62, $0x7;
	v3 =	vbroadcast v3, $0x0  }
0xe0: {  	v4 =	vor.u32 v1, v4;
	v2 =	vadd.s32 s26, v2  }
0xe1: {  	v3 =	vor.u32 v3, v4;
	vm14 =	vlt.s32 v2, $0x27ABFF  }
0xe2: {  	s0 =	sadd.s32 $0x10, s0;
	v2 =	vnsel vm14, $0x27ABFF, v2  }
0xe3: {  	s3 =	simm.s32 $0x10D00;
	s26 =	simm.s32 $0x14100;
	[tilespmem:s0+$0x0] =	vst v2  }
0xe4: {  	[tilespmem:s26], [sflag:$0x1] =	stream.indirect.gather [hbm4b:s1+s14], $0x1, s3, s14, $0xb8;
	[tilespmem:$0x16B00] =	vst v63  }
0xe5: {  	s3 =	simm.s32 $0x1050;
	s26 =	simm.s32 $0x8  }
0xe6: {  	v2 =	vld.idx.msk [tilespmem:v3+s5+$0x0], $0xffff;
	s0 =	sand.u32 $0x1F0, s3;
	v3 =	vmov s26  }
0xe7: {  	v63 =	vmov s0;
	v3 =	vand.u32 $0x7F, v3  }
0xe8: {  	v4 =	vshll.u32 v63, $0x7;
	v3 =	vbroadcast v3, $0x0  }
0xe9: {  	s3 =	smul.u32 $0x186A0, s28;
	v4 =	vor.u32 v1, v4  }
0xea: {  	v3 =	vor.u32 v3, v4  }
0xeb: {  	v2 =	vadd.s32 s3, v2  }
0xec: {  	vm15 =	vlt.s32 v2, $0x27ABFF  }
0xed: {  	s28 =	simm.s32 $0x11040;
	v2 =	vnsel vm15, $0x27ABFF, v2  }
0xee: {  	s30 =	simm.s32 $0x1060;
	[tilespmem:s28+$0x0] =	vst v2  }
0xef: {  	s31 =	simm.s32 $0x106;
	s29 =	simm.s32 $0x8;
	s0 =	simm.s32 $0x1070;
	v2 =	vld.idx.msk [tilespmem:v3+s5+$0x0], $0xffff  }
.LBB2_12:
0xf0: {  	p0 =	sne.s32 s0, $0x1370;
	s3 =	sand.u32 $0x1F0, s30;
	v3 =	vmov s29;
	s30 =	smov.u32 s0  }
0xf1: {  	v4 =	vmov s3;
	v3 =	vand.u32 $0x7F, v3  }
0xf2: {  	v4 =	vshll.u32 v4, $0x7;
	v3 =	vbroadcast v3, $0x0  }
0xf3: {  	s3 =	smul.u32 $0x186A0, s26;
	s26 =	smov.u32 s29;
	v4 =	vor.u32 v1, v4  }
0xf4: {  	v3 =	vor.u32 v3, v4  }
.Ltmp5:
0xf5: {  	v2 =	vadd.s32 s3, v2;
	(pc) =	sbr.rel @p0 .LBB2_12-.Ltmp5, $4  }
0xf6: {  	vm0 =	vlt.s32 v2, $0x27ABFF  }
0xf7: {  	s28 =	sadd.s32 $0x10, s28;
	v2 =	vnsel vm0, $0x27ABFF, v2  }
0xf8: {  	s31 =	sadd.s32 $0x1, s31;
	[tilespmem:s28+$0x0] =	vst v2  }
0xf9: {  	s0 =	sadd.s32 $0x10, s0;
	s29 =	sshrl.u32 s31, $0x5;
	v2 =	vld.idx.msk [tilespmem:v3+s5+$0x0], $0xffff  }
0xfa: {  	s0 =	sand.u32 $0x1F0, s30;
	v3 =	vmov s29  }
0xfb: {  	v4 =	vmov s0;
	v3 =	vand.u32 $0x7F, v3  }
0xfc: {  	v4 =	vshll.u32 v4, $0x7;
	v3 =	vbroadcast v3, $0x0  }
0xfd: {  	s26 =	smul.u32 $0x186A0, s26;
	v4 =	vor.u32 v1, v4  }
0xfe: {  	v3 =	vor.u32 v3, v4  }
0xff: {  	v2 =	vadd.s32 s26, v2  }
0x100: {  	vm0 =	vlt.s32 v2, $0x27ABFF  }
0x101: {  	s0 =	sadd.s32 $0x10, s28;
	v2 =	vnsel vm0, $0x27ABFF, v2  }
0x102: {  	[tilespmem:s0+$0x0] =	vst v2  }
0x103: {  	v2 =	vld.idx.msk [tilespmem:v3+s5+$0x0], $0xffff  }
0x104: {  	s3 =	simm.s32 $0x1380;
	s28 =	simm.s32 $0x9  }
0x105: {  	s3 =	sand.u32 $0x1F0, s3;
	v3 =	vmov s28  }
0x106: {  	v62 =	vmov s3;
	s26 =	smul.u32 $0x186A0, s29;
	v3 =	vand.u32 $0x7F, v3  }
0x107: {  	v4 =	vshll.u32 v62, $0x7;
	v3 =	vbroadcast v3, $0x0  }
0x108: {  	v4 =	vor.u32 v1, v4;
	v2 =	vadd.s32 s26, v2  }
0x109: {  	v3 =	vor.u32 v3, v4;
	vm14 =	vlt.s32 v2, $0x27ABFF  }
0x10a: {  	s0 =	sadd.s32 $0x10, s0;
	v2 =	vnsel vm14, $0x27ABFF, v2  }
0x10b: {  	s3 =	simm.s32 $0x11040;
	s26 =	simm.s32 $0x14440;
	[tilespmem:s0+$0x0] =	vst v2  }
0x10c: {  	[tilespmem:s26], [sflag:$0x1] =	stream.indirect.gather [hbm4b:s1+s14], $0x1, s3, s14, $0xb8;
	[tilespmem:$0x16B00] =	vst v63  }
0x10d: {  	s3 =	simm.s32 $0x1390;
	s26 =	simm.s32 $0x9  }
0x10e: {  	v2 =	vld.idx.msk [tilespmem:v3+s5+$0x0], $0xffff;
	s0 =	sand.u32 $0x1F0, s3;
	v3 =	vmov s26  }
0x10f: {  	v63 =	vmov s0;
	v3 =	vand.u32 $0x7F, v3  }
0x110: {  	v4 =	vshll.u32 v63, $0x7;
	v3 =	vbroadcast v3, $0x0  }
0x111: {  	s3 =	smul.u32 $0x186A0, s28;
	v4 =	vor.u32 v1, v4  }
0x112: {  	v3 =	vor.u32 v3, v4  }
0x113: {  	v2 =	vadd.s32 s3, v2  }
0x114: {  	vm15 =	vlt.s32 v2, $0x27ABFF  }
0x115: {  	s28 =	simm.s32 $0x11380;
	v2 =	vnsel vm15, $0x27ABFF, v2  }
0x116: {  	s30 =	simm.s32 $0x13A0;
	[tilespmem:s28+$0x0] =	vst v2  }
0x117: {  	s31 =	simm.s32 $0x13A;
	s29 =	simm.s32 $0x9;
	s0 =	simm.s32 $0x13B0;
	v2 =	vld.idx.msk [tilespmem:v3+s5+$0x0], $0xffff  }
.LBB2_14:
0x118: {  	p0 =	sne.s32 s0, $0x16B0;
	s3 =	sand.u32 $0x1F0, s30;
	v3 =	vmov s29;
	s30 =	smov.u32 s0  }
0x119: {  	v4 =	vmov s3;
	v3 =	vand.u32 $0x7F, v3  }
0x11a: {  	v4 =	vshll.u32 v4, $0x7;
	v3 =	vbroadcast v3, $0x0  }
0x11b: {  	s3 =	smul.u32 $0x186A0, s26;
	s26 =	smov.u32 s29;
	v4 =	vor.u32 v1, v4  }
0x11c: {  	v3 =	vor.u32 v3, v4  }
.Ltmp6:
0x11d: {  	v2 =	vadd.s32 s3, v2;
	(pc) =	sbr.rel @p0 .LBB2_14-.Ltmp6, $4  }
0x11e: {  	vm0 =	vlt.s32 v2, $0x27ABFF  }
0x11f: {  	s28 =	sadd.s32 $0x10, s28;
	v2 =	vnsel vm0, $0x27ABFF, v2  }
0x120: {  	s31 =	sadd.s32 $0x1, s31;
	[tilespmem:s28+$0x0] =	vst v2  }
0x121: {  	s0 =	sadd.s32 $0x10, s0;
	s29 =	sshrl.u32 s31, $0x5;
	v2 =	vld.idx.msk [tilespmem:v3+s5+$0x0], $0xffff  }
0x122: {  	s0 =	sand.u32 $0x1F0, s30;
	v3 =	vmov s29  }
0x123: {  	v4 =	vmov s0;
	v3 =	vand.u32 $0x7F, v3  }
0x124: {  	v4 =	vshll.u32 v4, $0x7;
	v3 =	vbroadcast v3, $0x0  }
0x125: {  	s26 =	smul.u32 $0x186A0, s26;
	v4 =	vor.u32 v1, v4  }
0x126: {  	v3 =	vor.u32 v3, v4  }
0x127: {  	v2 =	vadd.s32 s26, v2  }
0x128: {  	vm0 =	vlt.s32 v2, $0x27ABFF  }
0x129: {  	s0 =	sadd.s32 $0x10, s28;
	v2 =	vnsel vm0, $0x27ABFF, v2  }
0x12a: {  	[tilespmem:s0+$0x0] =	vst v2  }
0x12b: {  	v2 =	vld.idx.msk [tilespmem:v3+s5+$0x0], $0xffff  }
0x12c: {  	s3 =	simm.s32 $0x16C0;
	s28 =	simm.s32 $0xB  }
0x12d: {  	s3 =	sand.u32 $0x1F0, s3;
	v3 =	vmov s28  }
0x12e: {  	v62 =	vmov s3;
	s26 =	smul.u32 $0x186A0, s29;
	v3 =	vand.u32 $0x7F, v3  }
0x12f: {  	v4 =	vshll.u32 v62, $0x7;
	v3 =	vbroadcast v3, $0x0  }
0x130: {  	v4 =	vor.u32 v1, v4;
	v2 =	vadd.s32 s26, v2  }
0x131: {  	v3 =	vor.u32 v3, v4;
	vm14 =	vlt.s32 v2, $0x27ABFF  }
0x132: {  	s0 =	sadd.s32 $0x10, s0;
	v2 =	vnsel vm14, $0x27ABFF, v2  }
0x133: {  	s3 =	simm.s32 $0x11380;
	s26 =	simm.s32 $0x14780;
	[tilespmem:s0+$0x0] =	vst v2  }
0x134: {  	[tilespmem:s26], [sflag:$0x1] =	stream.indirect.gather [hbm4b:s1+s14], $0x1, s3, s14, $0xb8;
	[tilespmem:$0x16B00] =	vst v63  }
0x135: {  	s3 =	simm.s32 $0x16D0;
	s26 =	simm.s32 $0xB  }
0x136: {  	v2 =	vld.idx.msk [tilespmem:v3+s5+$0x0], $0xffff;
	s0 =	sand.u32 $0x1F0, s3;
	v3 =	vmov s26  }
0x137: {  	v63 =	vmov s0;
	v3 =	vand.u32 $0x7F, v3  }
0x138: {  	v4 =	vshll.u32 v63, $0x7;
	v3 =	vbroadcast v3, $0x0  }
0x139: {  	s3 =	smul.u32 $0x186A0, s28;
	v4 =	vor.u32 v1, v4  }
0x13a: {  	v3 =	vor.u32 v3, v4  }
0x13b: {  	v2 =	vadd.s32 s3, v2  }
0x13c: {  	vm15 =	vlt.s32 v2, $0x27ABFF  }
0x13d: {  	s28 =	simm.s32 $0x116C0;
	v2 =	vnsel vm15, $0x27ABFF, v2  }
0x13e: {  	s30 =	simm.s32 $0x16E0;
	[tilespmem:s28+$0x0] =	vst v2  }
0x13f: {  	s31 =	simm.s32 $0x16E;
	s29 =	simm.s32 $0xB;
	s0 =	simm.s32 $0x16F0;
	v2 =	vld.idx.msk [tilespmem:v3+s5+$0x0], $0xffff  }
.LBB2_16:
0x140: {  	p0 =	sne.s32 s0, $0x19F0;
	s3 =	sand.u32 $0x1F0, s30;
	v3 =	vmov s29;
	s30 =	smov.u32 s0  }
0x141: {  	v4 =	vmov s3;
	v3 =	vand.u32 $0x7F, v3  }
0x142: {  	v4 =	vshll.u32 v4, $0x7;
	v3 =	vbroadcast v3, $0x0  }
0x143: {  	s3 =	smul.u32 $0x186A0, s26;
	s26 =	smov.u32 s29;
	v4 =	vor.u32 v1, v4  }
0x144: {  	v3 =	vor.u32 v3, v4  }
.Ltmp7:
0x145: {  	v2 =	vadd.s32 s3, v2;
	(pc) =	sbr.rel @p0 .LBB2_16-.Ltmp7, $4  }
0x146: {  	vm0 =	vlt.s32 v2, $0x27ABFF  }
0x147: {  	s28 =	sadd.s32 $0x10, s28;
	v2 =	vnsel vm0, $0x27ABFF, v2  }
0x148: {  	s31 =	sadd.s32 $0x1, s31;
	[tilespmem:s28+$0x0] =	vst v2  }
0x149: {  	s0 =	sadd.s32 $0x10, s0;
	s29 =	sshrl.u32 s31, $0x5;
	v2 =	vld.idx.msk [tilespmem:v3+s5+$0x0], $0xffff  }
0x14a: {  	s0 =	sand.u32 $0x1F0, s30;
	v3 =	vmov s29  }
0x14b: {  	v4 =	vmov s0;
	v3 =	vand.u32 $0x7F, v3  }
0x14c: {  	v4 =	vshll.u32 v4, $0x7;
	v3 =	vbroadcast v3, $0x0  }
0x14d: {  	s26 =	smul.u32 $0x186A0, s26;
	v4 =	vor.u32 v1, v4  }
0x14e: {  	v3 =	vor.u32 v3, v4  }
0x14f: {  	v2 =	vadd.s32 s26, v2  }
0x150: {  	vm0 =	vlt.s32 v2, $0x27ABFF  }
0x151: {  	s0 =	sadd.s32 $0x10, s28;
	v2 =	vnsel vm0, $0x27ABFF, v2  }
0x152: {  	[tilespmem:s0+$0x0] =	vst v2  }
0x153: {  	v2 =	vld.idx.msk [tilespmem:v3+s5+$0x0], $0xffff  }
0x154: {  	s3 =	simm.s32 $0x0;
	s28 =	simm.s32 $0xD  }
0x155: {  	s3 =	sand.u32 $0x1F0, s3;
	v3 =	vmov s28  }
0x156: {  	s31 =	smul.u32 $0x186A0, s29;
	v62 =	vmov s3;
	v3 =	vand.u32 $0x7F, v3  }
0x157: {  	v4 =	vshll.u32 v62, $0x7;
	v3 =	vbroadcast v3, $0x0  }
0x158: {  	v4 =	vor.u32 v1, v4;
	v2 =	vadd.s32 s31, v2  }
0x159: {  	v3 =	vor.u32 v3, v4;
	vm14 =	vlt.s32 v2, $0x27ABFF  }
0x15a: {  	s0 =	sadd.s32 $0x10, s0;
	v2 =	vnsel vm14, $0x27ABFF, v2  }
0x15b: {  	s26 =	simm.s32 $0x116C0;
	s31 =	simm.s32 $0x14AC0;
	[tilespmem:s0+$0x0] =	vst v2  }
0x15c: {  	[tilespmem:s31], [sflag:$0x1] =	stream.indirect.gather [hbm4b:s1+s14], $0x1, s26, s14, $0xb8;
	[tilespmem:$0x16B00] =	vst v63  }
0x15d: {  	s3 =	simm.s32 $0x10;
	s26 =	simm.s32 $0xD  }
0x15e: {  	s0 =	sand.u32 $0x1F0, s3;
	v2 =	vld.idx.msk [tilespmem:v3+s5+$0x0], $0xffff;
	v3 =	vmov s26  }
0x15f: {  	v63 =	vmov s0;
	v3 =	vand.u32 $0x7F, v3  }
0x160: {  	v4 =	vshll.u32 v63, $0x7;
	v3 =	vbroadcast v3, $0x0  }
0x161: {  	s31 =	smul.u32 $0x186A0, s28;
	v4 =	vor.u32 v1, v4  }
0x162: {  	v3 =	vor.u32 v3, v4  }
0x163: {  	v2 =	vadd.s32 s31, v2  }
0x164: {  	vm15 =	vlt.s32 v2, $0x27ABFF  }
0x165: {  	s28 =	simm.s32 $0x11A00;
	v2 =	vnsel vm15, $0x27ABFF, v2  }
0x166: {  	[tilespmem:s28+$0x0] =	vst v2  }
0x167: {  	s29 =	simm.s32 $0xD;
	s30 =	simm.s32 $0x20;
	s0 =	simm.s32 $0x1A3;
	v2 =	vld.idx.msk [tilespmem:v3+s5+$0x0], $0xffff  }
.LBB2_18:
0x168: {  	p0 =	sne.s32 s0, $0x1D3;
	s3 =	sand.u32 $0x1F0, s30;
	v3 =	vmov s29  }
0x169: {  	v4 =	vmov s3;
	v3 =	vand.u32 $0x7F, v3  }
0x16a: {  	v4 =	vshll.u32 v4, $0x7;
	v3 =	vbroadcast v3, $0x0  }
0x16b: {  	s3 =	smul.u32 $0x186A0, s26;
	s26 =	smov.u32 s29;
	v4 =	vor.u32 v1, v4  }
0x16c: {  	v3 =	vor.u32 v3, v4  }
.Ltmp8:
0x16d: {  	v2 =	vadd.s32 s3, v2;
	(pc) =	sbr.rel @p0 .LBB2_18-.Ltmp8, $4  }
0x16e: {  	vm0 =	vlt.s32 v2, $0x27ABFF  }
0x16f: {  	s28 =	sadd.s32 $0x10, s28;
	v2 =	vnsel vm0, $0x27ABFF, v2  }
0x170: {  	[tilespmem:s28+$0x0] =	vst v2  }
0x171: {  	s30 =	sadd.s32 $0x10, s30;
	s29 =	sshrl.u32 s0, $0x5;
	s0 =	sadd.s32 $0x1, s0;
	v2 =	vld.idx.msk [tilespmem:v3+s5+$0x0], $0xffff  }
0x172: {  	s0 =	sand.u32 $0x1F0, s30;
	v3 =	vmov s29  }
0x173: {  	v4 =	vmov s0;
	v3 =	vand.u32 $0x7F, v3  }
0x174: {  	v4 =	vshll.u32 v4, $0x7;
	v3 =	vbroadcast v3, $0x0  }
0x175: {  	s26 =	smul.u32 $0x186A0, s26;
	v4 =	vor.u32 v1, v4  }
0x176: {  	v3 =	vor.u32 v3, v4  }
0x177: {  	v2 =	vadd.s32 s26, v2  }
0x178: {  	vm0 =	vlt.s32 v2, $0x27ABFF  }
0x179: {  	s0 =	sadd.s32 $0x10, s28;
	v2 =	vnsel vm0, $0x27ABFF, v2  }
0x17a: {  	[tilespmem:s0+$0x0] =	vst v2  }
0x17b: {  	v2 =	vld.idx.msk [tilespmem:v3+s5+$0x0], $0xffff  }
0x17c: {  	s3 =	simm.s32 $0x1D40;
	s28 =	simm.s32 $0xE  }
0x17d: {  	s3 =	sand.u32 $0x1F0, s3;
	v3 =	vmov s28  }
0x17e: {  	v62 =	vmov s3;
	s26 =	smul.u32 $0x186A0, s29;
	v3 =	vand.u32 $0x7F, v3  }
0x17f: {  	v4 =	vshll.u32 v62, $0x7;
	v3 =	vbroadcast v3, $0x0  }
0x180: {  	v4 =	vor.u32 v1, v4;
	v2 =	vadd.s32 s26, v2  }
0x181: {  	v3 =	vor.u32 v3, v4;
	vm14 =	vlt.s32 v2, $0x27ABFF  }
0x182: {  	s0 =	sadd.s32 $0x10, s0;
	v2 =	vnsel vm14, $0x27ABFF, v2  }
0x183: {  	s3 =	simm.s32 $0x11A00;
	s26 =	simm.s32 $0x14E00;
	[tilespmem:s0+$0x0] =	vst v2  }
0x184: {  	[tilespmem:s26], [sflag:$0x1] =	stream.indirect.gather [hbm4b:s1+s14], $0x1, s3, s14, $0xb8;
	[tilespmem:$0x16B00] =	vst v63  }
0x185: {  	s3 =	simm.s32 $0x1D50;
	s26 =	simm.s32 $0xE  }
0x186: {  	v2 =	vld.idx.msk [tilespmem:v3+s5+$0x0], $0xffff;
	s0 =	sand.u32 $0x1F0, s3;
	v3 =	vmov s26  }
0x187: {  	v63 =	vmov s0;
	v3 =	vand.u32 $0x7F, v3  }
0x188: {  	v4 =	vshll.u32 v63, $0x7;
	v3 =	vbroadcast v3, $0x0  }
0x189: {  	s3 =	smul.u32 $0x186A0, s28;
	v4 =	vor.u32 v1, v4  }
0x18a: {  	v3 =	vor.u32 v3, v4  }
0x18b: {  	v2 =	vadd.s32 s3, v2  }
0x18c: {  	vm15 =	vlt.s32 v2, $0x27ABFF  }
0x18d: {  	s28 =	simm.s32 $0x11D40;
	v2 =	vnsel vm15, $0x27ABFF, v2  }
0x18e: {  	s30 =	simm.s32 $0x1D60;
	[tilespmem:s28+$0x0] =	vst v2  }
0x18f: {  	s31 =	simm.s32 $0x1D6;
	s29 =	simm.s32 $0xE;
	s0 =	simm.s32 $0x1D70;
	v2 =	vld.idx.msk [tilespmem:v3+s5+$0x0], $0xffff  }
.LBB2_20:
0x190: {  	p0 =	sne.s32 s0, $0x2070;
	s3 =	sand.u32 $0x1F0, s30;
	v3 =	vmov s29;
	s30 =	smov.u32 s0  }
0x191: {  	v4 =	vmov s3;
	v3 =	vand.u32 $0x7F, v3  }
0x192: {  	v4 =	vshll.u32 v4, $0x7;
	v3 =	vbroadcast v3, $0x0  }
0x193: {  	s3 =	smul.u32 $0x186A0, s26;
	s26 =	smov.u32 s29;
	v4 =	vor.u32 v1, v4  }
0x194: {  	v3 =	vor.u32 v3, v4  }
.Ltmp9:
0x195: {  	v2 =	vadd.s32 s3, v2;
	(pc) =	sbr.rel @p0 .LBB2_20-.Ltmp9, $4  }
0x196: {  	vm0 =	vlt.s32 v2, $0x27ABFF  }
0x197: {  	s28 =	sadd.s32 $0x10, s28;
	v2 =	vnsel vm0, $0x27ABFF, v2  }
0x198: {  	s31 =	sadd.s32 $0x1, s31;
	[tilespmem:s28+$0x0] =	vst v2  }
0x199: {  	s0 =	sadd.s32 $0x10, s0;
	s29 =	sshrl.u32 s31, $0x5;
	v2 =	vld.idx.msk [tilespmem:v3+s5+$0x0], $0xffff  }
0x19a: {  	s0 =	sand.u32 $0x1F0, s30;
	v3 =	vmov s29  }
0x19b: {  	v4 =	vmov s0;
	v3 =	vand.u32 $0x7F, v3  }
0x19c: {  	v4 =	vshll.u32 v4, $0x7;
	v3 =	vbroadcast v3, $0x0  }
0x19d: {  	s26 =	smul.u32 $0x186A0, s26;
	v4 =	vor.u32 v1, v4  }
0x19e: {  	v3 =	vor.u32 v3, v4  }
0x19f: {  	v2 =	vadd.s32 s26, v2  }
0x1a0: {  	vm0 =	vlt.s32 v2, $0x27ABFF  }
0x1a1: {  	s0 =	sadd.s32 $0x10, s28;
	v2 =	vnsel vm0, $0x27ABFF, v2  }
0x1a2: {  	[tilespmem:s0+$0x0] =	vst v2  }
0x1a3: {  	v2 =	vld.idx.msk [tilespmem:v3+s5+$0x0], $0xffff  }
0x1a4: {  	s3 =	simm.s32 $0x2080;
	s28 =	simm.s32 $0x10  }
0x1a5: {  	s3 =	sand.u32 $0x1F0, s3;
	v3 =	vmov s28  }
0x1a6: {  	v62 =	vmov s3;
	s26 =	smul.u32 $0x186A0, s29;
	v3 =	vand.u32 $0x7F, v3  }
0x1a7: {  	v4 =	vshll.u32 v62, $0x7;
	v3 =	vbroadcast v3, $0x0  }
0x1a8: {  	v4 =	vor.u32 v1, v4;
	v2 =	vadd.s32 s26, v2  }
0x1a9: {  	v3 =	vor.u32 v3, v4;
	vm14 =	vlt.s32 v2, $0x27ABFF  }
0x1aa: {  	s0 =	sadd.s32 $0x10, s0;
	v2 =	vnsel vm14, $0x27ABFF, v2  }
0x1ab: {  	s3 =	simm.s32 $0x11D40;
	s26 =	simm.s32 $0x15140;
	[tilespmem:s0+$0x0] =	vst v2  }
0x1ac: {  	[tilespmem:s26], [sflag:$0x1] =	stream.indirect.gather [hbm4b:s1+s14], $0x1, s3, s14, $0xb8;
	[tilespmem:$0x16B00] =	vst v63  }
0x1ad: {  	s3 =	simm.s32 $0x2090;
	s26 =	simm.s32 $0x10  }
0x1ae: {  	v2 =	vld.idx.msk [tilespmem:v3+s5+$0x0], $0xffff;
	s0 =	sand.u32 $0x1F0, s3;
	v3 =	vmov s26  }
0x1af: {  	v63 =	vmov s0;
	v3 =	vand.u32 $0x7F, v3  }
0x1b0: {  	v4 =	vshll.u32 v63, $0x7;
	v3 =	vbroadcast v3, $0x0  }
0x1b1: {  	s3 =	smul.u32 $0x186A0, s28;
	v4 =	vor.u32 v1, v4  }
0x1b2: {  	v3 =	vor.u32 v3, v4  }
0x1b3: {  	v2 =	vadd.s32 s3, v2  }
0x1b4: {  	vm15 =	vlt.s32 v2, $0x27ABFF  }
0x1b5: {  	s28 =	simm.s32 $0x12080;
	v2 =	vnsel vm15, $0x27ABFF, v2  }
0x1b6: {  	s30 =	simm.s32 $0x20A0;
	[tilespmem:s28+$0x0] =	vst v2  }
0x1b7: {  	s31 =	simm.s32 $0x20A;
	s29 =	simm.s32 $0x10;
	s0 =	simm.s32 $0x20B0;
	v2 =	vld.idx.msk [tilespmem:v3+s5+$0x0], $0xffff  }
.LBB2_22:
0x1b8: {  	p0 =	sne.s32 s0, $0x23B0;
	s3 =	sand.u32 $0x1F0, s30;
	v3 =	vmov s29;
	s30 =	smov.u32 s0  }
0x1b9: {  	v4 =	vmov s3;
	v3 =	vand.u32 $0x7F, v3  }
0x1ba: {  	v4 =	vshll.u32 v4, $0x7;
	v3 =	vbroadcast v3, $0x0  }
0x1bb: {  	s3 =	smul.u32 $0x186A0, s26;
	s26 =	smov.u32 s29;
	v4 =	vor.u32 v1, v4  }
0x1bc: {  	v3 =	vor.u32 v3, v4  }
.Ltmp10:
0x1bd: {  	v2 =	vadd.s32 s3, v2;
	(pc) =	sbr.rel @p0 .LBB2_22-.Ltmp10, $4  }
0x1be: {  	vm0 =	vlt.s32 v2, $0x27ABFF  }
0x1bf: {  	s28 =	sadd.s32 $0x10, s28;
	v2 =	vnsel vm0, $0x27ABFF, v2  }
0x1c0: {  	s31 =	sadd.s32 $0x1, s31;
	[tilespmem:s28+$0x0] =	vst v2  }
0x1c1: {  	s0 =	sadd.s32 $0x10, s0;
	s29 =	sshrl.u32 s31, $0x5;
	v2 =	vld.idx.msk [tilespmem:v3+s5+$0x0], $0xffff  }
0x1c2: {  	s0 =	sand.u32 $0x1F0, s30;
	v3 =	vmov s29  }
0x1c3: {  	v4 =	vmov s0;
	v3 =	vand.u32 $0x7F, v3  }
0x1c4: {  	v4 =	vshll.u32 v4, $0x7;
	v3 =	vbroadcast v3, $0x0  }
0x1c5: {  	s26 =	smul.u32 $0x186A0, s26;
	v4 =	vor.u32 v1, v4  }
0x1c6: {  	v3 =	vor.u32 v3, v4  }
0x1c7: {  	v2 =	vadd.s32 s26, v2  }
0x1c8: {  	vm0 =	vlt.s32 v2, $0x27ABFF  }
0x1c9: {  	s0 =	sadd.s32 $0x10, s28;
	v2 =	vnsel vm0, $0x27ABFF, v2  }
0x1ca: {  	[tilespmem:s0+$0x0] =	vst v2  }
0x1cb: {  	s3 =	simm.s32 $0x23C0;
	s28 =	simm.s32 $0x11;
	v2 =	vld.idx.msk [tilespmem:v3+s5+$0x0], $0xffff  }
0x1cc: {  	s3 =	sand.u32 $0x1F0, s3;
	v3 =	vmov s28  }
0x1cd: {  	v62 =	vmov s3;
	v3 =	vand.u32 $0x7F, v3  }
0x1ce: {  	s26 =	smul.u32 $0x186A0, s29;
	v4 =	vshll.u32 v62, $0x7;
	v3 =	vbroadcast v3, $0x0  }
0x1cf: {  	v4 =	vor.u32 v1, v4  }
0x1d0: {  	v3 =	vor.u32 v3, v4;
	v2 =	vadd.s32 s26, v2  }
0x1d1: {  	vm14 =	vlt.s32 v2, $0x27ABFF  }
0x1d2: {  	s0 =	sadd.s32 $0x10, s0;
	v2 =	vnsel vm14, $0x27ABFF, v2  }
0x1d3: {  	s3 =	simm.s32 $0x23D0;
	s26 =	simm.s32 $0x11;
	[tilespmem:s0+$0x0] =	vst v2  }
0x1d4: {  	[tilespmem:s4], [sflag:$0x1] =	stream.indirect.gather [hbm4b:s1+s14], $0x1, s2, s14, $0xb8;
	[tilespmem:$0x16B00] =	vst v63  }
0x1d5: {  	s0 =	sand.u32 $0x1F0, s3;
	v2 =	vld.idx.msk [tilespmem:v3+s5+$0x0], $0xffff;
	v3 =	vmov s26  }
0x1d6: {  	v63 =	vmov s0;
	v3 =	vand.u32 $0x7F, v3  }
0x1d7: {  	v4 =	vshll.u32 v63, $0x7;
	v3 =	vbroadcast v3, $0x0  }
0x1d8: {  	s3 =	smul.u32 $0x186A0, s28;
	v4 =	vor.u32 v1, v4  }
0x1d9: {  	v3 =	vor.u32 v3, v4  }
0x1da: {  	v2 =	vadd.s32 s3, v2  }
0x1db: {  	vm15 =	vlt.s32 v2, $0x27ABFF  }
0x1dc: {  	s28 =	simm.s32 $0x123C0;
	v2 =	vnsel vm15, $0x27ABFF, v2  }
0x1dd: {  	s30 =	simm.s32 $0x23E0;
	[tilespmem:s28+$0x0] =	vst v2  }
0x1de: {  	s31 =	simm.s32 $0x23E;
	s29 =	simm.s32 $0x11;
	s0 =	simm.s32 $0x23F0;
	v2 =	vld.idx.msk [tilespmem:v3+s5+$0x0], $0xffff  }
.LBB2_24:
0x1df: {  	p0 =	sne.s32 s0, $0x26F0;
	s3 =	sand.u32 $0x1F0, s30;
	v3 =	vmov s29;
	s30 =	smov.u32 s0  }
0x1e0: {  	v4 =	vmov s3;
	v3 =	vand.u32 $0x7F, v3  }
0x1e1: {  	v4 =	vshll.u32 v4, $0x7;
	v3 =	vbroadcast v3, $0x0  }
0x1e2: {  	s3 =	smul.u32 $0x186A0, s26;
	s26 =	smov.u32 s29;
	v4 =	vor.u32 v1, v4  }
0x1e3: {  	v3 =	vor.u32 v3, v4  }
.Ltmp11:
0x1e4: {  	v2 =	vadd.s32 s3, v2;
	(pc) =	sbr.rel @p0 .LBB2_24-.Ltmp11, $4  }
0x1e5: {  	vm0 =	vlt.s32 v2, $0x27ABFF  }
0x1e6: {  	s28 =	sadd.s32 $0x10, s28;
	v2 =	vnsel vm0, $0x27ABFF, v2  }
0x1e7: {  	s31 =	sadd.s32 $0x1, s31;
	[tilespmem:s28+$0x0] =	vst v2  }
0x1e8: {  	s0 =	sadd.s32 $0x10, s0;
	s29 =	sshrl.u32 s31, $0x5;
	v2 =	vld.idx.msk [tilespmem:v3+s5+$0x0], $0xffff  }
0x1e9: {  	s0 =	sand.u32 $0x1F0, s30;
	v3 =	vmov s29  }
0x1ea: {  	v4 =	vmov s0;
	v3 =	vand.u32 $0x7F, v3  }
0x1eb: {  	v4 =	vshll.u32 v4, $0x7;
	v3 =	vbroadcast v3, $0x0  }
0x1ec: {  	s26 =	smul.u32 $0x186A0, s26;
	v4 =	vor.u32 v1, v4  }
0x1ed: {  	v3 =	vor.u32 v3, v4  }
0x1ee: {  	v2 =	vadd.s32 s26, v2  }
0x1ef: {  	vm0 =	vlt.s32 v2, $0x27ABFF  }
0x1f0: {  	s0 =	sadd.s32 $0x10, s28;
	v2 =	vnsel vm0, $0x27ABFF, v2  }
0x1f1: {  	[tilespmem:s0+$0x0] =	vst v2  }
0x1f2: {  	s3 =	simm.s32 $0x2700;
	s28 =	simm.s32 $0x13;
	v2 =	vld.idx.msk [tilespmem:v3+s5+$0x0], $0xffff  }
0x1f3: {  	s3 =	sand.u32 $0x1F0, s3;
	v3 =	vmov s28  }
0x1f4: {  	v62 =	vmov s3;
	v3 =	vand.u32 $0x7F, v3  }
0x1f5: {  	s26 =	smul.u32 $0x186A0, s29;
	v4 =	vshll.u32 v62, $0x7;
	v3 =	vbroadcast v3, $0x0  }
0x1f6: {  	v4 =	vor.u32 v1, v4  }
0x1f7: {  	v3 =	vor.u32 v3, v4;
	v2 =	vadd.s32 s26, v2  }
0x1f8: {  	vm14 =	vlt.s32 v2, $0x27ABFF  }
0x1f9: {  	s0 =	sadd.s32 $0x10, s0;
	v2 =	vnsel vm14, $0x27ABFF, v2  }
0x1fa: {  	s3 =	simm.s32 $0x2710;
	s26 =	simm.s32 $0x13;
	[tilespmem:s0+$0x0] =	vst v2  }
0x1fb: {  	[tilespmem:s13], [sflag:$0x1] =	stream.indirect.gather [hbm4b:s1+s14], $0x1, s11, s14, $0xb8;
	[tilespmem:$0x16B00] =	vst v63  }
0x1fc: {  	s0 =	sand.u32 $0x1F0, s3;
	v2 =	vld.idx.msk [tilespmem:v3+s5+$0x0], $0xffff;
	v3 =	vmov s26  }
0x1fd: {  	v63 =	vmov s0;
	v3 =	vand.u32 $0x7F, v3  }
0x1fe: {  	v4 =	vshll.u32 v63, $0x7;
	v3 =	vbroadcast v3, $0x0  }
0x1ff: {  	s3 =	smul.u32 $0x186A0, s28;
	v4 =	vor.u32 v1, v4  }
0x200: {  	v3 =	vor.u32 v3, v4  }
0x201: {  	v2 =	vadd.s32 s3, v2  }
0x202: {  	vm15 =	vlt.s32 v2, $0x27ABFF  }
0x203: {  	s28 =	simm.s32 $0x12700;
	v2 =	vnsel vm15, $0x27ABFF, v2  }
0x204: {  	s30 =	simm.s32 $0x2720;
	[tilespmem:s28+$0x0] =	vst v2  }
0x205: {  	s31 =	simm.s32 $0x272;
	s29 =	simm.s32 $0x13;
	s0 =	simm.s32 $0x2730;
	v2 =	vld.idx.msk [tilespmem:v3+s5+$0x0], $0xffff  }
.LBB2_26:
0x206: {  	p0 =	sne.s32 s0, $0x2A30;
	s3 =	sand.u32 $0x1F0, s30;
	v3 =	vmov s29;
	s30 =	smov.u32 s0  }
0x207: {  	v4 =	vmov s3;
	v3 =	vand.u32 $0x7F, v3  }
0x208: {  	v4 =	vshll.u32 v4, $0x7;
	v3 =	vbroadcast v3, $0x0  }
0x209: {  	s3 =	smul.u32 $0x186A0, s26;
	s26 =	smov.u32 s29;
	v4 =	vor.u32 v1, v4  }
0x20a: {  	v3 =	vor.u32 v3, v4  }
.Ltmp12:
0x20b: {  	v2 =	vadd.s32 s3, v2;
	(pc) =	sbr.rel @p0 .LBB2_26-.Ltmp12, $4  }
0x20c: {  	vm0 =	vlt.s32 v2, $0x27ABFF  }
0x20d: {  	s28 =	sadd.s32 $0x10, s28;
	v2 =	vnsel vm0, $0x27ABFF, v2  }
0x20e: {  	s31 =	sadd.s32 $0x1, s31;
	[tilespmem:s28+$0x0] =	vst v2  }
0x20f: {  	s0 =	sadd.s32 $0x10, s0;
	s29 =	sshrl.u32 s31, $0x5;
	v2 =	vld.idx.msk [tilespmem:v3+s5+$0x0], $0xffff  }
0x210: {  	s0 =	sand.u32 $0x1F0, s30;
	v3 =	vmov s29  }
0x211: {  	v4 =	vmov s0;
	v3 =	vand.u32 $0x7F, v3  }
0x212: {  	v4 =	vshll.u32 v4, $0x7;
	v3 =	vbroadcast v3, $0x0  }
0x213: {  	s26 =	smul.u32 $0x186A0, s26;
	v4 =	vor.u32 v1, v4  }
0x214: {  	v3 =	vor.u32 v3, v4  }
0x215: {  	v2 =	vadd.s32 s26, v2  }
0x216: {  	vm0 =	vlt.s32 v2, $0x27ABFF  }
0x217: {  	s0 =	sadd.s32 $0x10, s28;
	v2 =	vnsel vm0, $0x27ABFF, v2  }
0x218: {  	[tilespmem:s0+$0x0] =	vst v2  }
0x219: {  	s3 =	simm.s32 $0x2A40;
	s28 =	simm.s32 $0x15;
	v2 =	vld.idx.msk [tilespmem:v3+s5+$0x0], $0xffff  }
0x21a: {  	s3 =	sand.u32 $0x1F0, s3;
	v3 =	vmov s28  }
0x21b: {  	v62 =	vmov s3;
	v3 =	vand.u32 $0x7F, v3  }
0x21c: {  	s26 =	smul.u32 $0x186A0, s29;
	v4 =	vshll.u32 v62, $0x7;
	v3 =	vbroadcast v3, $0x0  }
0x21d: {  	v4 =	vor.u32 v1, v4  }
0x21e: {  	v3 =	vor.u32 v3, v4;
	v2 =	vadd.s32 s26, v2  }
0x21f: {  	vm14 =	vlt.s32 v2, $0x27ABFF  }
0x220: {  	s0 =	sadd.s32 $0x10, s0;
	v2 =	vnsel vm14, $0x27ABFF, v2  }
0x221: {  	s3 =	simm.s32 $0x2A50;
	s26 =	simm.s32 $0x15;
	[tilespmem:s0+$0x0] =	vst v2  }
0x222: {  	[tilespmem:s16], [sflag:$0x1] =	stream.indirect.gather [hbm4b:s1+s14], $0x1, s15, s14, $0xb8;
	[tilespmem:$0x16B00] =	vst v63  }
0x223: {  	s0 =	sand.u32 $0x1F0, s3;
	v2 =	vld.idx.msk [tilespmem:v3+s5+$0x0], $0xffff;
	v3 =	vmov s26  }
0x224: {  	v63 =	vmov s0;
	v3 =	vand.u32 $0x7F, v3  }
0x225: {  	v4 =	vshll.u32 v63, $0x7;
	v3 =	vbroadcast v3, $0x0  }
0x226: {  	s3 =	smul.u32 $0x186A0, s28;
	v4 =	vor.u32 v1, v4  }
0x227: {  	v3 =	vor.u32 v3, v4  }
0x228: {  	v2 =	vadd.s32 s3, v2  }
0x229: {  	vm15 =	vlt.s32 v2, $0x27ABFF  }
0x22a: {  	s28 =	simm.s32 $0x12A40;
	v2 =	vnsel vm15, $0x27ABFF, v2  }
0x22b: {  	s30 =	simm.s32 $0x2A60;
	[tilespmem:s28+$0x0] =	vst v2  }
0x22c: {  	s31 =	simm.s32 $0x2A6;
	s29 =	simm.s32 $0x15;
	s0 =	simm.s32 $0x2A70;
	v2 =	vld.idx.msk [tilespmem:v3+s5+$0x0], $0xffff  }
.LBB2_28:
0x22d: {  	p0 =	sne.s32 s0, $0x2D70;
	s3 =	sand.u32 $0x1F0, s30;
	v3 =	vmov s29;
	s30 =	smov.u32 s0  }
0x22e: {  	v4 =	vmov s3;
	v3 =	vand.u32 $0x7F, v3  }
0x22f: {  	v4 =	vshll.u32 v4, $0x7;
	v3 =	vbroadcast v3, $0x0  }
0x230: {  	s3 =	smul.u32 $0x186A0, s26;
	s26 =	smov.u32 s29;
	v4 =	vor.u32 v1, v4  }
0x231: {  	v3 =	vor.u32 v3, v4  }
.Ltmp13:
0x232: {  	v2 =	vadd.s32 s3, v2;
	(pc) =	sbr.rel @p0 .LBB2_28-.Ltmp13, $4  }
0x233: {  	vm0 =	vlt.s32 v2, $0x27ABFF  }
0x234: {  	s28 =	sadd.s32 $0x10, s28;
	v2 =	vnsel vm0, $0x27ABFF, v2  }
0x235: {  	s31 =	sadd.s32 $0x1, s31;
	[tilespmem:s28+$0x0] =	vst v2  }
0x236: {  	s0 =	sadd.s32 $0x10, s0;
	s29 =	sshrl.u32 s31, $0x5;
	v2 =	vld.idx.msk [tilespmem:v3+s5+$0x0], $0xffff  }
0x237: {  	s0 =	sand.u32 $0x1F0, s30;
	v3 =	vmov s29  }
0x238: {  	v4 =	vmov s0;
	v3 =	vand.u32 $0x7F, v3  }
0x239: {  	v4 =	vshll.u32 v4, $0x7;
	v3 =	vbroadcast v3, $0x0  }
0x23a: {  	s26 =	smul.u32 $0x186A0, s26;
	v4 =	vor.u32 v1, v4  }
0x23b: {  	v3 =	vor.u32 v3, v4  }
0x23c: {  	v2 =	vadd.s32 s26, v2  }
0x23d: {  	vm0 =	vlt.s32 v2, $0x27ABFF  }
0x23e: {  	s0 =	sadd.s32 $0x10, s28;
	v2 =	vnsel vm0, $0x27ABFF, v2  }
0x23f: {  	[tilespmem:s0+$0x0] =	vst v2  }
0x240: {  	s3 =	simm.s32 $0x2D80;
	s28 =	simm.s32 $0x16;
	v2 =	vld.idx.msk [tilespmem:v3+s5+$0x0], $0xffff  }
0x241: {  	s3 =	sand.u32 $0x1F0, s3;
	v3 =	vmov s28  }
0x242: {  	v62 =	vmov s3;
	v3 =	vand.u32 $0x7F, v3  }
0x243: {  	s26 =	smul.u32 $0x186A0, s29;
	v4 =	vshll.u32 v62, $0x7;
	v3 =	vbroadcast v3, $0x0  }
0x244: {  	v4 =	vor.u32 v1, v4  }
0x245: {  	v3 =	vor.u32 v3, v4;
	v2 =	vadd.s32 s26, v2  }
0x246: {  	vm14 =	vlt.s32 v2, $0x27ABFF  }
0x247: {  	s0 =	sadd.s32 $0x10, s0;
	v2 =	vnsel vm14, $0x27ABFF, v2  }
0x248: {  	s3 =	simm.s32 $0x2D90;
	s26 =	simm.s32 $0x16;
	[tilespmem:s0+$0x0] =	vst v2  }
0x249: {  	[tilespmem:s18], [sflag:$0x1] =	stream.indirect.gather [hbm4b:s1+s14], $0x1, s17, s14, $0xb8;
	[tilespmem:$0x16B00] =	vst v63  }
0x24a: {  	s0 =	sand.u32 $0x1F0, s3;
	v2 =	vld.idx.msk [tilespmem:v3+s5+$0x0], $0xffff;
	v3 =	vmov s26  }
0x24b: {  	v63 =	vmov s0;
	v3 =	vand.u32 $0x7F, v3  }
0x24c: {  	v4 =	vshll.u32 v63, $0x7;
	v3 =	vbroadcast v3, $0x0  }
0x24d: {  	s3 =	smul.u32 $0x186A0, s28;
	v4 =	vor.u32 v1, v4  }
0x24e: {  	v3 =	vor.u32 v3, v4  }
0x24f: {  	v2 =	vadd.s32 s3, v2  }
0x250: {  	vm15 =	vlt.s32 v2, $0x27ABFF  }
0x251: {  	s28 =	simm.s32 $0x12D80;
	v2 =	vnsel vm15, $0x27ABFF, v2  }
0x252: {  	s30 =	simm.s32 $0x2DA0;
	[tilespmem:s28+$0x0] =	vst v2  }
0x253: {  	s31 =	simm.s32 $0x2DA;
	s29 =	simm.s32 $0x16;
	s0 =	simm.s32 $0x2DB0;
	v2 =	vld.idx.msk [tilespmem:v3+s5+$0x0], $0xffff  }
.LBB2_30:
0x254: {  	p0 =	sne.s32 s0, $0x30B0;
	s3 =	sand.u32 $0x1F0, s30;
	v3 =	vmov s29;
	s30 =	smov.u32 s0  }
0x255: {  	v4 =	vmov s3;
	v3 =	vand.u32 $0x7F, v3  }
0x256: {  	v4 =	vshll.u32 v4, $0x7;
	v3 =	vbroadcast v3, $0x0  }
0x257: {  	s3 =	smul.u32 $0x186A0, s26;
	s26 =	smov.u32 s29;
	v4 =	vor.u32 v1, v4  }
0x258: {  	v3 =	vor.u32 v3, v4  }
.Ltmp14:
0x259: {  	v2 =	vadd.s32 s3, v2;
	(pc) =	sbr.rel @p0 .LBB2_30-.Ltmp14, $4  }
0x25a: {  	vm0 =	vlt.s32 v2, $0x27ABFF  }
0x25b: {  	s28 =	sadd.s32 $0x10, s28;
	v2 =	vnsel vm0, $0x27ABFF, v2  }
0x25c: {  	s31 =	sadd.s32 $0x1, s31;
	[tilespmem:s28+$0x0] =	vst v2  }
0x25d: {  	s0 =	sadd.s32 $0x10, s0;
	s29 =	sshrl.u32 s31, $0x5;
	v2 =	vld.idx.msk [tilespmem:v3+s5+$0x0], $0xffff  }
0x25e: {  	s0 =	sand.u32 $0x1F0, s30;
	v3 =	vmov s29  }
0x25f: {  	v4 =	vmov s0;
	v3 =	vand.u32 $0x7F, v3  }
0x260: {  	v4 =	vshll.u32 v4, $0x7;
	v3 =	vbroadcast v3, $0x0  }
0x261: {  	s26 =	smul.u32 $0x186A0, s26;
	v4 =	vor.u32 v1, v4  }
0x262: {  	v3 =	vor.u32 v3, v4  }
0x263: {  	v2 =	vadd.s32 s26, v2  }
0x264: {  	vm0 =	vlt.s32 v2, $0x27ABFF  }
0x265: {  	s0 =	sadd.s32 $0x10, s28;
	v2 =	vnsel vm0, $0x27ABFF, v2  }
0x266: {  	[tilespmem:s0+$0x0] =	vst v2  }
0x267: {  	s3 =	simm.s32 $0x30C0;
	s28 =	simm.s32 $0x18;
	v2 =	vld.idx.msk [tilespmem:v3+s5+$0x0], $0xffff  }
0x268: {  	s3 =	sand.u32 $0x1F0, s3;
	v3 =	vmov s28  }
0x269: {  	v62 =	vmov s3;
	v3 =	vand.u32 $0x7F, v3  }
0x26a: {  	s26 =	smul.u32 $0x186A0, s29;
	v4 =	vshll.u32 v62, $0x7;
	v3 =	vbroadcast v3, $0x0  }
0x26b: {  	v4 =	vor.u32 v1, v4  }
0x26c: {  	v3 =	vor.u32 v3, v4;
	v2 =	vadd.s32 s26, v2  }
0x26d: {  	vm14 =	vlt.s32 v2, $0x27ABFF  }
0x26e: {  	s0 =	sadd.s32 $0x10, s0;
	v2 =	vnsel vm14, $0x27ABFF, v2  }
0x26f: {  	s3 =	simm.s32 $0x30D0;
	s26 =	simm.s32 $0x18;
	[tilespmem:s0+$0x0] =	vst v2  }
0x270: {  	[tilespmem:s20], [sflag:$0x1] =	stream.indirect.gather [hbm4b:s1+s14], $0x1, s19, s14, $0xb8;
	[tilespmem:$0x16B00] =	vst v63  }
0x271: {  	s0 =	sand.u32 $0x1F0, s3;
	v2 =	vld.idx.msk [tilespmem:v3+s5+$0x0], $0xffff;
	v3 =	vmov s26  }
0x272: {  	v63 =	vmov s0;
	v3 =	vand.u32 $0x7F, v3  }
0x273: {  	v4 =	vshll.u32 v63, $0x7;
	v3 =	vbroadcast v3, $0x0  }
0x274: {  	s3 =	smul.u32 $0x186A0, s28;
	v4 =	vor.u32 v1, v4  }
0x275: {  	v3 =	vor.u32 v3, v4  }
0x276: {  	v2 =	vadd.s32 s3, v2  }
0x277: {  	vm15 =	vlt.s32 v2, $0x27ABFF  }
0x278: {  	s28 =	simm.s32 $0x130C0;
	v2 =	vnsel vm15, $0x27ABFF, v2  }
0x279: {  	s31 =	simm.s32 $0x30E;
	[tilespmem:s28+$0x0] =	vst v2  }
0x27a: {  	s30 =	simm.s32 $0x18;
	s29 =	simm.s32 $0x30E0;
	s0 =	simm.s32 $0x30F0;
	v2 =	vld.idx.msk [tilespmem:v3+s5+$0x0], $0xffff  }
.LBB2_32:
0x27b: {  	p0 =	sne.s32 s0, $0x33F0;
	s3 =	sand.u32 $0x1F0, s29;
	v3 =	vmov s30;
	s29 =	smov.u32 s0  }
0x27c: {  	v4 =	vmov s3;
	v3 =	vand.u32 $0x7F, v3  }
0x27d: {  	v4 =	vshll.u32 v4, $0x7;
	v3 =	vbroadcast v3, $0x0  }
0x27e: {  	s3 =	smul.u32 $0x186A0, s26;
	s26 =	smov.u32 s30;
	v4 =	vor.u32 v1, v4  }
0x27f: {  	v3 =	vor.u32 v3, v4  }
.Ltmp15:
0x280: {  	v2 =	vadd.s32 s3, v2;
	(pc) =	sbr.rel @p0 .LBB2_32-.Ltmp15, $4  }
0x281: {  	vm0 =	vlt.s32 v2, $0x27ABFF  }
0x282: {  	s28 =	sadd.s32 $0x10, s28;
	v2 =	vnsel vm0, $0x27ABFF, v2  }
0x283: {  	s31 =	sadd.s32 $0x1, s31;
	[tilespmem:s28+$0x0] =	vst v2  }
0x284: {  	s0 =	sadd.s32 $0x10, s0;
	s30 =	sshrl.u32 s31, $0x5;
	v2 =	vld.idx.msk [tilespmem:v3+s5+$0x0], $0xffff  }
0x285: {  	s0 =	sand.u32 $0x1F0, s29;
	v3 =	vmov s30  }
0x286: {  	v4 =	vmov s0;
	v3 =	vand.u32 $0x7F, v3  }
0x287: {  	v4 =	vshll.u32 v4, $0x7;
	v3 =	vbroadcast v3, $0x0  }
0x288: {  	s26 =	smul.u32 $0x186A0, s26;
	v4 =	vor.u32 v1, v4  }
0x289: {  	v3 =	vor.u32 v3, v4  }
0x28a: {  	v2 =	vadd.s32 s26, v2  }
0x28b: {  	vm0 =	vlt.s32 v2, $0x27ABFF  }
0x28c: {  	s29 =	sadd.s32 $0x10, s28;
	v2 =	vnsel vm0, $0x27ABFF, v2  }
0x28d: {  	[tilespmem:s29+$0x0] =	vst v2  }
0x28e: {  	v2 =	vld.idx.msk [tilespmem:v3+s5+$0x0], $0xffff;
	_ =	sdelay $0x2  }
0x28f: {  	s3 =	smul.u32 $0x186A0, s30;
	_ =	sdelay $0x1  }
0x290: {  	v2 =	vadd.s32 s3, v2  }
0x291: {  	vm14 =	vlt.s32 v2, $0x27ABFF  }
0x292: {  	s0 =	sadd.s32 $0x10, s29;
	v2 =	vnsel vm14, $0x27ABFF, v2  }
0x293: {  	[tilespmem:s0+$0x0] =	vst v2  }
0x294: {  	[tilespmem:s22], [sflag:$0x1] =	stream.indirect.gather [hbm4b:s1+s14], $0x1, s21, s14, $0xb8;
	[tilespmem:$0x16B00] =	vst v63  }
0x295: {  	_ =	swait.ge [sflag:s23], $0x340  }
0x296: {  	[sflag:s23] =	ssyncset.done $0x0  }
0x297: {  	[sflag:s23] =	ssyncadd.s32 $0xFFFFFCC0  }
0x298: {  	_ =	swait.ge [sflag:s23], $0x340  }
0x299: {  	[sflag:s23] =	ssyncset.done $0x0  }
0x29a: {  	[sflag:s23] =	ssyncadd.s32 $0xFFFFFCC0  }
0x29b: {  	_ =	swait.ge [sflag:s23], $0x340  }
0x29c: {  	[sflag:s23] =	ssyncset.done $0x0  }
0x29d: {  	[sflag:s23] =	ssyncadd.s32 $0xFFFFFCC0  }
0x29e: {  	_ =	swait.ge [sflag:s23], $0x340  }
0x29f: {  	[sflag:s23] =	ssyncset.done $0x0  }
0x2a0: {  	[sflag:s23] =	ssyncadd.s32 $0xFFFFFCC0  }
0x2a1: {  	_ =	swait.ge [sflag:s23], $0x340  }
0x2a2: {  	[sflag:s23] =	ssyncset.done $0x0  }
0x2a3: {  	[sflag:s23] =	ssyncadd.s32 $0xFFFFFCC0  }
0x2a4: {  	_ =	swait.ge [sflag:s23], $0x340  }
0x2a5: {  	[sflag:s23] =	ssyncset.done $0x0  }
0x2a6: {  	[sflag:s23] =	ssyncadd.s32 $0xFFFFFCC0  }
0x2a7: {  	_ =	swait.ge [sflag:s23], $0x340  }
0x2a8: {  	[sflag:s23] =	ssyncset.done $0x0  }
0x2a9: {  	[sflag:s23] =	ssyncadd.s32 $0xFFFFFCC0  }
0x2aa: {  	_ =	swait.ge [sflag:s23], $0x340  }
0x2ab: {  	[sflag:s23] =	ssyncset.done $0x0  }
0x2ac: {  	[sflag:s23] =	ssyncadd.s32 $0xFFFFFCC0  }
0x2ad: {  	_ =	swait.ge [sflag:s23], $0x340  }
0x2ae: {  	[sflag:s23] =	ssyncset.done $0x0  }
0x2af: {  	[sflag:s23] =	ssyncadd.s32 $0xFFFFFCC0  }
0x2b0: {  	_ =	swait.ge [sflag:s23], $0x340  }
0x2b1: {  	[sflag:s23] =	ssyncset.done $0x0  }
0x2b2: {  	[sflag:s23] =	ssyncadd.s32 $0xFFFFFCC0  }
0x2b3: {  	_ =	swait.ge [sflag:s23], $0x340  }
0x2b4: {  	[sflag:s23] =	ssyncset.done $0x0  }
0x2b5: {  	[sflag:s23] =	ssyncadd.s32 $0xFFFFFCC0  }
0x2b6: {  	_ =	swait.ge [sflag:s23], $0x340  }
0x2b7: {  	[sflag:s23] =	ssyncset.done $0x0  }
0x2b8: {  	[sflag:s23] =	ssyncadd.s32 $0xFFFFFCC0  }
0x2b9: {  	_ =	swait.ge [sflag:s23], $0x340  }
0x2ba: {  	[sflag:s23] =	ssyncset.done $0x0  }
0x2bb: {  	[sflag:s23] =	ssyncadd.s32 $0xFFFFFCC0  }
0x2bc: {  	s31 =	simm.s32 $0x0;
	_ =	swait.ge [sflag:s23], $0x340  }
0x2bd: {  	v2 =	vmov s31;
	[sflag:s23] =	ssyncset.done $0x0  }
0x2be: {  	v2 =	vshll.u32 v2, $0x7;
	[sflag:s23] =	ssyncadd.s32 $0xFFFFFCC0  }
0x2bf: {  	v2 =	vor.u32 v1, v2;
	_ =	swait.ge [sflag:s23], $0x340  }
0x2c0: {  	v2 =	vor.u32 $0x19, v2;
	[sflag:s23] =	ssyncset.done $0x0  }
0x2c1: {  	[sflag:s23] =	ssyncadd.s32 $0xFFFFFCC0  }
0x2c2: {  	_ =	swait.ge [sflag:s23], $0x340  }
0x2c3: {  	[sflag:s23] =	ssyncset.done $0x0  }
0x2c4: {  	[sflag:s23] =	ssyncadd.s32 $0xFFFFFCC0  }
0x2c5: {  	v2 =	vld.idx.msk [tilespmem:v2+s5+$0x0], $0xffff;
	_ =	sdelay $0x4  }
0x2c6: {  	v3 =	vadd.s32 $0xFFFE79A0, v2  }
0x2c7: {  	vm15 =	vgt.s32 v3, $0x0  }
0x2c8: {  	v3 =	vnsel vm15, $0x0, v3  }
0x2c9: {  	v3 =	vmin.u32 v3, $0x3F;
	_ =	sdelay $0x3  }
0x2ca: {  	s26 =	simm.s32 $0x10  }
0x2cb: {  	s28 =	simm.s32 $0x20;
	v4 =	vmov s26;
	s0 =	sand.u32 $0x1F0, s31;
	v3 =	vld.idx.msk [tilespmem:v3+s10+$0x0], $0xffff  }
.LBB2_34:
0x2cc: {  	p0 =	sne.s32 s28, $0x1F0;
	v4 =	vshll.u32 v4, $0x7;
	v5 =	vld [tilespmem:s0+$0x16600]  }
0x2cd: {  	v4 =	vor.u32 v1, v4  }
0x2ce: {  	v4 =	vor.u32 $0x19, v4  }
0x2cf: {  	v2 =	vadd.s32 $0x2625A0, v2  }
0x2d0: {  	vm0 =	vgt.s32 v2, $0x27ABFF  }
0x2d1: {  	v2 =	vsel vm0, v3, v5  }
0x2d2: {  	[tilespmem:s0+$0x16600] =	vst v2  }
0x2d3: {  	v2 =	vld.idx.msk [tilespmem:v4+s5+$0x0], $0xffff;
	_ =	sdelay $0x5  }
0x2d4: {  	v3 =	vadd.s32 $0xFFFE79A0, v2  }
0x2d5: {  	vm0 =	vgt.s32 v3, $0x0  }
0x2d6: {  	v3 =	vnsel vm0, $0x0, v3  }
0x2d7: {  	v3 =	vmin.u32 v3, $0x3F  }
.Ltmp16:
0x2d8: {  	(pc) =	sbr.rel @p0 .LBB2_34-.Ltmp16, $2  }
0x2d9: {  	_ =	sdelay $0x2  }
0x2da: {  	s0 =	sand.u32 $0x1F0, s26;
	s26 =	smov.u32 s28;
	v4 =	vmov s28;
	s28 =	sadd.s32 $0x10, s28;
	v3 =	vld.idx.msk [tilespmem:v3+s10+$0x0], $0xffff  }
0x2db: {  	v4 =	vshll.u32 v4, $0x7;
	v5 =	vld [tilespmem:s0+$0x16600]  }
0x2dc: {  	v4 =	vor.u32 v1, v4  }
0x2dd: {  	v4 =	vor.u32 $0x19, v4  }
0x2de: {  	v2 =	vadd.s32 $0x2625A0, v2  }
0x2df: {  	vm0 =	vgt.s32 v2, $0x27ABFF  }
0x2e0: {  	v2 =	vsel vm0, v3, v5  }
0x2e1: {  	[tilespmem:s0+$0x16600] =	vst v2  }
0x2e2: {  	v2 =	vld.idx.msk [tilespmem:v4+s5+$0x0], $0xffff;
	_ =	sdelay $0x4  }
0x2e3: {  	v3 =	vadd.s32 $0xFFFE79A0, v2  }
0x2e4: {  	vm14 =	vgt.s32 v3, $0x0  }
0x2e5: {  	v3 =	vnsel vm14, $0x0, v3  }
0x2e6: {  	v3 =	vmin.u32 v3, $0x3F;
	_ =	sdelay $0x2  }
0x2e7: {  	s26 =	sand.u32 $0x1F0, s26  }
0x2e8: {  	v4 =	vld [tilespmem:s26+$0x16600]  }
0x2e9: {  	v3 =	vld.idx.msk [tilespmem:v3+s10+$0x0], $0xffff;
	_ =	sdelay $0x2  }
0x2ea: {  	v2 =	vadd.s32 $0x2625A0, v2  }
0x2eb: {  	vm15 =	vgt.s32 v2, $0x27ABFF  }
0x2ec: {  	s3 =	simm.s32 $0x0;
	v2 =	vsel vm15, v3, v4  }
0x2ed: {  	s31 =	sand.u32 $0x1F0, s3;
	[tilespmem:s26+$0x16600] =	vst v2  }
0x2ee: {  	s26 =	simm.s32 $0x13400;
	v2 =	vld [tilespmem:s31+$0x13600]  }
0x2ef: {  	v3 =	vld [tilespmem:s26+$0x0];
	_ =	sdelay $0x1  }
0x2f0: {  	v4 =	vld [tilespmem:s31+$0x13800];
	_ =	sdelay $0x1  }
0x2f1: {  	v5 =	vld [tilespmem:s31+$0x13A00]  }
0x2f2: {  	v2 =	vadd.f32 v2, v3  }
0x2f3: {  	v3 =	vld [tilespmem:s31+$0x13C00]  }
0x2f4: {  	v2 =	vadd.f32 v4, v2  }
0x2f5: {  	v4 =	vld [tilespmem:s31+$0x13E00]  }
0x2f6: {  	v2 =	vadd.f32 v5, v2  }
0x2f7: {  	v5 =	vld [tilespmem:s31+$0x14000]  }
0x2f8: {  	v2 =	vadd.f32 v3, v2  }
0x2f9: {  	v3 =	vld [tilespmem:s31+$0x14200]  }
0x2fa: {  	v2 =	vadd.f32 v4, v2  }
0x2fb: {  	v4 =	vld [tilespmem:s31+$0x14400]  }
0x2fc: {  	v2 =	vadd.f32 v5, v2  }
0x2fd: {  	v5 =	vld [tilespmem:s31+$0x14600]  }
0x2fe: {  	v2 =	vadd.f32 v3, v2  }
0x2ff: {  	v3 =	vld [tilespmem:s31+$0x14800]  }
0x300: {  	v2 =	vadd.f32 v4, v2  }
0x301: {  	v4 =	vld [tilespmem:s31+$0x14A00]  }
0x302: {  	v2 =	vadd.f32 v5, v2  }
0x303: {  	v5 =	vld [tilespmem:s31+$0x14C00]  }
0x304: {  	v2 =	vadd.f32 v3, v2  }
0x305: {  	v3 =	vld [tilespmem:s31+$0x14E00]  }
0x306: {  	v2 =	vadd.f32 v4, v2  }
0x307: {  	v4 =	vld [tilespmem:s31+$0x15000]  }
0x308: {  	v2 =	vadd.f32 v5, v2  }
0x309: {  	v5 =	vld [tilespmem:s31+$0x15200]  }
0x30a: {  	v2 =	vadd.f32 v3, v2  }
0x30b: {  	v3 =	vld [tilespmem:s31+$0x15400]  }
0x30c: {  	v2 =	vadd.f32 v4, v2  }
0x30d: {  	v4 =	vld [tilespmem:s31+$0x15600]  }
0x30e: {  	v2 =	vadd.f32 v5, v2  }
0x30f: {  	v5 =	vld [tilespmem:s31+$0x15800]  }
0x310: {  	v2 =	vadd.f32 v3, v2  }
0x311: {  	v3 =	vld [tilespmem:s31+$0x15A00]  }
0x312: {  	v2 =	vadd.f32 v4, v2  }
0x313: {  	v4 =	vld [tilespmem:s31+$0x15C00]  }
0x314: {  	v2 =	vadd.f32 v5, v2  }
0x315: {  	v5 =	vld [tilespmem:s31+$0x15E00]  }
0x316: {  	v2 =	vadd.f32 v3, v2  }
0x317: {  	v3 =	vld [tilespmem:s31+$0x16000]  }
0x318: {  	v2 =	vadd.f32 v4, v2  }
0x319: {  	v4 =	vld [tilespmem:s31+$0x16200]  }
0x31a: {  	v2 =	vadd.f32 v5, v2  }
0x31b: {  	v5 =	vld [tilespmem:s31+$0x16400]  }
0x31c: {  	v2 =	vadd.f32 v3, v2  }
0x31d: {  	v3 =	vld [tilespmem:s31+$0x16600]  }
0x31e: {  	v2 =	vadd.f32 v4, v2;
	_ =	sdelay $0x1  }
0x31f: {  	v4 =	vadd.f32 v5, v2  }
0x320: {  	v2 =	vld [tilespmem:$0x16A80]  }
0x321: {  	v3 =	vadd.f32 v3, v4;
	_ =	sdelay $0x1  }
0x322: {  	v3 =	vmul.f32 v3, v0;
	_ =	sdelay $0x1  }
0x323: {  	v3 =	vadd.f32 v3, v2  }
0x324: {  	s26 =	simm.s32 $0x16800;
	s31 =	simm.s32 $0x10  }
0x325: {  	s28 =	sand.u32 $0x1F0, s31;
	[tilespmem:s26+$0x0] =	vst v3  }
0x326: {  	s30 =	simm.s32 $0x20;
	s29 =	simm.s32 $0x13410;
	v3 =	vld [tilespmem:s28+$0x13600]  }
.LBB2_36:
0x327: {  	p0 =	sne.s32 s30, $0x1F0;
	v4 =	vld [tilespmem:s29+$0x0];
	_ =	sdelay $0x1  }
0x328: {  	v5 =	vld [tilespmem:s28+$0x13800];
	_ =	sdelay $0x1  }
0x329: {  	v6 =	vld [tilespmem:s28+$0x13A00]  }
0x32a: {  	v3 =	vadd.f32 v3, v4  }
0x32b: {  	v4 =	vld [tilespmem:s28+$0x13C00]  }
0x32c: {  	v3 =	vadd.f32 v5, v3  }
0x32d: {  	v5 =	vld [tilespmem:s28+$0x13E00]  }
0x32e: {  	v3 =	vadd.f32 v6, v3  }
0x32f: {  	v6 =	vld [tilespmem:s28+$0x14000]  }
0x330: {  	v3 =	vadd.f32 v4, v3  }
0x331: {  	v4 =	vld [tilespmem:s28+$0x14200]  }
0x332: {  	v3 =	vadd.f32 v5, v3  }
0x333: {  	v5 =	vld [tilespmem:s28+$0x14400]  }
0x334: {  	v3 =	vadd.f32 v6, v3  }
0x335: {  	v6 =	vld [tilespmem:s28+$0x14600]  }
0x336: {  	v3 =	vadd.f32 v4, v3  }
0x337: {  	v4 =	vld [tilespmem:s28+$0x14800]  }
0x338: {  	v3 =	vadd.f32 v5, v3  }
0x339: {  	v5 =	vld [tilespmem:s28+$0x14A00]  }
0x33a: {  	v3 =	vadd.f32 v6, v3  }
0x33b: {  	v6 =	vld [tilespmem:s28+$0x14C00]  }
0x33c: {  	v3 =	vadd.f32 v4, v3  }
0x33d: {  	v4 =	vld [tilespmem:s28+$0x14E00]  }
0x33e: {  	v3 =	vadd.f32 v5, v3  }
0x33f: {  	v5 =	vld [tilespmem:s28+$0x15000]  }
0x340: {  	v3 =	vadd.f32 v6, v3  }
0x341: {  	v6 =	vld [tilespmem:s28+$0x15200]  }
0x342: {  	v3 =	vadd.f32 v4, v3  }
0x343: {  	v4 =	vld [tilespmem:s28+$0x15400]  }
0x344: {  	v3 =	vadd.f32 v5, v3  }
0x345: {  	v5 =	vld [tilespmem:s28+$0x15600]  }
0x346: {  	v3 =	vadd.f32 v6, v3  }
0x347: {  	v6 =	vld [tilespmem:s28+$0x15800]  }
0x348: {  	v3 =	vadd.f32 v4, v3  }
0x349: {  	v4 =	vld [tilespmem:s28+$0x15A00]  }
0x34a: {  	v3 =	vadd.f32 v5, v3  }
0x34b: {  	v5 =	vld [tilespmem:s28+$0x15C00]  }
0x34c: {  	v3 =	vadd.f32 v6, v3  }
0x34d: {  	v6 =	vld [tilespmem:s28+$0x15E00]  }
0x34e: {  	v3 =	vadd.f32 v4, v3  }
0x34f: {  	v4 =	vld [tilespmem:s28+$0x16000]  }
0x350: {  	v3 =	vadd.f32 v5, v3  }
0x351: {  	v5 =	vld [tilespmem:s28+$0x16200]  }
0x352: {  	v3 =	vadd.f32 v6, v3  }
0x353: {  	v6 =	vld [tilespmem:s28+$0x16400]  }
0x354: {  	v3 =	vadd.f32 v4, v3  }
0x355: {  	v4 =	vld [tilespmem:s28+$0x16600]  }
0x356: {  	v3 =	vadd.f32 v5, v3;
	_ =	sdelay $0x1  }
0x357: {  	v3 =	vadd.f32 v6, v3;
	_ =	sdelay $0x1  }
0x358: {  	v3 =	vadd.f32 v4, v3;
	_ =	sdelay $0x1  }
0x359: {  	v3 =	vmul.f32 v3, v0  }
.Ltmp17:
0x35a: {  	(pc) =	sbr.rel @p0 .LBB2_36-.Ltmp17, $4  }
0x35b: {  	v3 =	vadd.f32 v3, v2  }
0x35c: {  	s26 =	sadd.s32 $0x10, s26  }
0x35d: {  	s28 =	sand.u32 $0x1F0, s30;
	[tilespmem:s26+$0x0] =	vst v3  }
0x35e: {  	s29 =	sadd.s32 $0x10, s29;
	s30 =	sadd.s32 $0x10, s30;
	v3 =	vld [tilespmem:s28+$0x13600]  }
0x35f: {  	v4 =	vld [tilespmem:s29+$0x0];
	_ =	sdelay $0x1  }
0x360: {  	v5 =	vld [tilespmem:s28+$0x13800];
	_ =	sdelay $0x1  }
0x361: {  	v6 =	vld [tilespmem:s28+$0x13A00]  }
0x362: {  	v3 =	vadd.f32 v3, v4  }
0x363: {  	v42 =	vld [tilespmem:s28+$0x13C00]  }
0x364: {  	v3 =	vadd.f32 v5, v3  }
0x365: {  	v43 =	vld [tilespmem:s28+$0x13E00]  }
0x366: {  	v3 =	vadd.f32 v6, v3  }
0x367: {  	v44 =	vld [tilespmem:s28+$0x14000]  }
0x368: {  	v3 =	vadd.f32 v42, v3  }
0x369: {  	v45 =	vld [tilespmem:s28+$0x14200]  }
0x36a: {  	v3 =	vadd.f32 v43, v3  }
0x36b: {  	v46 =	vld [tilespmem:s28+$0x14400]  }
0x36c: {  	v3 =	vadd.f32 v44, v3  }
0x36d: {  	v47 =	vld [tilespmem:s28+$0x14600]  }
0x36e: {  	v3 =	vadd.f32 v45, v3  }
0x36f: {  	v48 =	vld [tilespmem:s28+$0x14800]  }
0x370: {  	v3 =	vadd.f32 v46, v3  }
0x371: {  	v49 =	vld [tilespmem:s28+$0x14A00]  }
0x372: {  	v3 =	vadd.f32 v47, v3  }
0x373: {  	v50 =	vld [tilespmem:s28+$0x14C00]  }
0x374: {  	v3 =	vadd.f32 v48, v3  }
0x375: {  	v51 =	vld [tilespmem:s28+$0x14E00]  }
0x376: {  	v3 =	vadd.f32 v49, v3  }
0x377: {  	v52 =	vld [tilespmem:s28+$0x15000]  }
0x378: {  	v3 =	vadd.f32 v50, v3  }
0x379: {  	v53 =	vld [tilespmem:s28+$0x15200]  }
0x37a: {  	v3 =	vadd.f32 v51, v3  }
0x37b: {  	v54 =	vld [tilespmem:s28+$0x15400]  }
0x37c: {  	v3 =	vadd.f32 v52, v3  }
0x37d: {  	v55 =	vld [tilespmem:s28+$0x15600]  }
0x37e: {  	v3 =	vadd.f32 v53, v3  }
0x37f: {  	v56 =	vld [tilespmem:s28+$0x15800]  }
0x380: {  	v3 =	vadd.f32 v54, v3  }
0x381: {  	v57 =	vld [tilespmem:s28+$0x15A00]  }
0x382: {  	v3 =	vadd.f32 v55, v3  }
0x383: {  	v58 =	vld [tilespmem:s28+$0x15C00]  }
0x384: {  	v3 =	vadd.f32 v56, v3  }
0x385: {  	v59 =	vld [tilespmem:s28+$0x15E00]  }
0x386: {  	v3 =	vadd.f32 v57, v3  }
0x387: {  	v60 =	vld [tilespmem:s28+$0x16000]  }
0x388: {  	v3 =	vadd.f32 v58, v3  }
0x389: {  	v61 =	vld [tilespmem:s28+$0x16200]  }
0x38a: {  	v3 =	vadd.f32 v59, v3  }
0x38b: {  	v62 =	vld [tilespmem:s28+$0x16400]  }
0x38c: {  	v3 =	vadd.f32 v60, v3  }
0x38d: {  	v63 =	vld [tilespmem:s28+$0x16600]  }
0x38e: {  	v3 =	vadd.f32 v61, v3;
	_ =	sdelay $0x1  }
0x38f: {  	v3 =	vadd.f32 v62, v3;
	_ =	sdelay $0x1  }
0x390: {  	v3 =	vadd.f32 v63, v3;
	_ =	sdelay $0x1  }
0x391: {  	v3 =	vmul.f32 v3, v0;
	_ =	sdelay $0x1  }
0x392: {  	s25 =	sadd.s32 $0x1, s25;
	v2 =	vadd.f32 v3, v2  }
0x393: {  	s0 =	sadd.s32 $0x10, s26;
	p0 =	sne.s32 s25, s8  }
.Ltmp18:
0x394: {  	[tilespmem:s0+$0x0] =	vst v2;
	(pc) =	sbr.rel @p0 .LBB2_1-.Ltmp18, $4  }
0x395: {  	[hbm4b:s7+s5] =	stream.linear.scatter [tilespmem:s24], [sflag:$0x2], $0x200, $0x38;
	[tilespmem:$0x16B00] =	vst v63  }
0x396: {  	_ =	swait.ge [sflag:s9], $0x200  }
0x397: {  	[sflag:s9] =	ssyncset.done $0x0  }
0x398: {  	[sflag:s9] =	ssyncadd.s32 $0xFFFFFE00  }
0x399: {  	_ =	sfence.sel $0x180000  }
0x39a: {  	[bflag:$0x0] =	sbarrier.arrive $0xFFFF  }
0x39b: {  	_ =	strace $0x90000047  }
0x39c: {  	s0 =	stileid.u32;
	[bflag:$0x2] =	sbarrier.arrive $0xFFFF  }
0x39d: {  	p0 =	sne.s32 s0, $0x0;
	s0 =	rddreg [dreg:$0x5]  }
0x39e: {  	s0 =	sadd.s32 @!p0 $0x100000, s0  }
0x39f: {  	[sflag:s0] =	ssyncadd.tile.s32 @!p0 $0x1;
	_ =	shalt  }
.Lfunc_end2:
_tile_overlayer_lowered:
.L_overlay_start_2:
0x3a0: {  	(tag) =	ssettag $0x2  }
0x3a1: {  	s0 =	rddreg [dreg:$0x0];
	s2 =	stileid.u32  }
0x3a2: {  	s1 =	rddreg [dreg:$0x1];
	p0 =	sne.s32 s2, $0x0  }
0x3a3: {  	s3 =	rddreg [dreg:$0x2];
	[bflag:$0x3] =	sbarrier.arrive $0xFFFF;
	s2 =	simm.s32 @!p0 $0x1C02  }
0x3a4: {  	[timem:s3], [sflag:s2] =	dma.local @!p0 [hbm:s0], s1  }
0x3a5: {  	s0 =	simm.s32 @!p0 $0x2  }
0x3a6: {  	_ =	swait.ge @!p0 [sflag:s0], s1  }
0x3a7: {  	s1 =	ssub.s32 @!p0 $0x0, s1;
	[sflag:s0] =	ssyncset.done @!p0 $0x0  }
0x3a8: {  	[sflag:s0] =	ssyncadd.s32 @!p0 s1  }
0x3a9: {  	[bflag:$0x3] =	sbarrier.arrive $0xFFFF  }
0x3aa: {  	_ =	shalt  }

</sc_bundles>
